<compile_context>
chip_gen: v7x
topology: tpu7x:2x2x1
jax: 0.10.2.dev20260603
libtpu: 0.0.44.dev20260713+nightly
codegen_flags: <defaults>
</compile_context>

<pallas_src>
import functools

import jax
import jax.numpy as jnp
from jax import lax
from jax.experimental import pallas as pl
from jax.experimental.pallas import tpu as pltpu
from jax.experimental.pallas import tpu_sc as plsc

NC, NS = 2, 16
NW = NC * NS
B = 16384
D = 128
NREL = 1000
CHUNK = 128
ROWS_PER_W = B // NW
NCHUNK = ROWS_PER_W // CHUNK
NARR = 4

GDEPTH = 5
NBUF = 7
NSTEP = NARR * NCHUNK

_mesh = plsc.VectorSubcoreMesh(
    core_axis_name="c", subcore_axis_name="s", num_cores=NC, num_subcores=NS
)


@functools.partial(
    pl.kernel,
    out_type=[jax.ShapeDtypeStruct((B, D), jnp.float32) for _ in range(NARR)],
    mesh=_mesh,
    scratch_types=[
        pltpu.VMEM((NARR, ROWS_PER_W), jnp.int32),
        pltpu.VMEM((NBUF, CHUNK, D), jnp.float32),
        pltpu.VMEM_SHARED((NREL, D), jnp.float32),
        [pltpu.SemaphoreType.DMA for _ in range(NBUF)],
        [pltpu.SemaphoreType.DMA for _ in range(NBUF)],
        pltpu.SemaphoreType.DMA,
    ],
)
def _gather4(head_i, rel_i, tail_i, neg_i, ent_hbm, relemb_hbm,
             out_head, out_rel, out_tail, out_neg,
             idx_v, rows_v, rel_sh, gsems, wsems, isem):
    cid = lax.axis_index("c")
    sid = lax.axis_index("s")
    wid = sid * NC + cid
    base = wid * ROWS_PER_W

    rel_desc = [None, None]
    rel_off = pl.multiple_of(sid * 128, 8)
    @pl.when(sid < 7)
    def _():
        rel_desc[0] = pltpu.async_copy(
            relemb_hbm.at[pl.ds(rel_off, 128)],
            rel_sh.at[pl.ds(rel_off, 128)],
            isem,
        )
    @pl.when(sid == 7)
    def _():
        rel_desc[1] = pltpu.async_copy(
            relemb_hbm.at[pl.ds(896, NREL - 896)],
            rel_sh.at[pl.ds(896, NREL - 896)],
            isem,
        )

    idx_in = (head_i, rel_i, tail_i, neg_i)
    head_d = pltpu.async_copy(
        idx_in[0].at[pl.ds(base, ROWS_PER_W)], idx_v.at[0], gsems[NBUF - 1]
    )
    descs = [
        pltpu.async_copy(
            idx_in[a].at[pl.ds(base, ROWS_PER_W)], idx_v.at[a], wsems[a]
        )
        for a in range(1, NARR)
    ]
    head_d.wait()

    tables = (ent_hbm, rel_sh, ent_hbm, ent_hbm)
    outs = (out_head, out_rel, out_tail, out_neg)
    order = (0, 2, 3, 1)
    steps = [(a, c) for a in order for c in range(NCHUNK)]
    g_desc = [None] * NBUF
    w_desc = [None] * NBUF

    def start_gather(i):
        a, c = steps[i]
        b = i % NBUF
        g_desc[b] = pltpu.async_copy(
            tables[a].at[idx_v.at[a, pl.ds(c * CHUNK, CHUNK)]],
            rows_v.at[b],
            gsems[b],
        )

    def start_write(i):
        a, c = steps[i]
        b = i % NBUF
        w_desc[b] = pltpu.async_copy(
            rows_v.at[b], outs[a].at[pl.ds(base + c * CHUNK, CHUNK)], wsems[b]
        )

    FIRST_REL = NSTEP - NCHUNK
    for i in range(min(GDEPTH, NCHUNK)):
        start_gather(i)
    for d_ in descs:
        d_.wait()
    for i in range(NCHUNK, GDEPTH):
        start_gather(i)
    for i in range(NSTEP):
        if i + GDEPTH == FIRST_REL:
            @pl.when(sid < 7)
            def _():
                rel_desc[0].wait()
            @pl.when(sid == 7)
            def _():
                rel_desc[1].wait()
            plsc.subcore_barrier()
        b = i % NBUF
        g_desc[b].wait()
        if i + GDEPTH < NSTEP:
            nb = (i + GDEPTH) % NBUF
            if w_desc[nb] is not None:
                w_desc[nb].wait()
            start_gather(i + GDEPTH)
        start_write(i)
    for i in range(NSTEP - NBUF, NSTEP):
        if w_desc[i % NBUF] is not None:
            w_desc[i % NBUF].wait()


def kernel(head, tail, rel, neg, entity_emb, relation_emb):
    head_e, rel_e, tail_e, neg_e = _gather4(
        head.astype(jnp.int32),
        rel.astype(jnp.int32),
        tail.astype(jnp.int32),
        neg.astype(jnp.int32),
        entity_emb,
        relation_emb,
    )
    return (head_e, rel_e, tail_e, neg_e)

# --- scband reference (transcript-rebuilt; emitter-appended) ---
"""Pipeline reference for scband-kgeencoder-9191230014043 (READ-ONLY COPY).

The authoritative reference and input builder live on the scoring server;
editing this copy changes nothing except your own understanding.
"""

import jax, jax.numpy as jnp
import numpy as np

N_ENTITY = 1000000
N_RELATION = 1000
DIM = 128
BATCH = 16384

def setup_inputs(seed: int = 0) -> dict:
    key = jax.random.key(seed)
    k1, k2, k3, k4, k5, k6 = jax.random.split(key, 6)
    head = jax.random.randint(k1, (BATCH,), 0, N_ENTITY, dtype=jnp.int64) if jax.config.jax_enable_x64 else jax.random.randint(k1, (BATCH,), 0, N_ENTITY, dtype=jnp.int32)
    tail = jax.random.randint(k2, (BATCH,), 0, N_ENTITY, dtype=head.dtype)
    rel = jax.random.randint(k3, (BATCH,), 0, N_RELATION, dtype=head.dtype)
    neg = jax.random.randint(k4, (BATCH,), 0, N_ENTITY, dtype=head.dtype)
    # KGEmbedding tables, uniform init as in dgl-ke (emb_init = gamma+eps)/dim style; plain uniform here
    entity_emb = jax.random.uniform(k5, (N_ENTITY, DIM), dtype=jnp.float32, minval=-0.05, maxval=0.05)
    relation_emb = jax.random.uniform(k6, (N_RELATION, DIM), dtype=jnp.float32, minval=-0.05, maxval=0.05)
    return {"head": head, "tail": tail, "rel": rel, "neg": neg,
            "entity_emb": entity_emb, "relation_emb": relation_emb}

def reference(head, tail, rel, neg, entity_emb, relation_emb):
    # KGEEncoder.forward: four embedding gathers
    head_e = jnp.take(entity_emb, head, axis=0)
    tail_e = jnp.take(entity_emb, tail, axis=0)
    rel_e = jnp.take(relation_emb, rel, axis=0)
    neg_e = jnp.take(entity_emb, neg, axis=0)
    # returns dict {'head','rel','tail','neg'} in torch; return tuple in same order
    return (head_e, rel_e, tail_e, neg_e)

if __name__ == "__main__":
    import jax
    _d = setup_inputs()
    print(jax.jit(kernel)(*tuple(_d.values())))

</pallas_src>

<mosaic_0001>
#map = affine_map<(d0, d1) -> (0)>
#map1 = affine_map<(d0, d1) -> (0, 0)>
module attributes {stable_mosaic.version = 14 : i64} {
  func.func @_gather4(%arg0: i32, %arg1: i32, %arg2: memref<16384xi32, #tpu.memory_space<hbm>>, %arg3: memref<16384xi32, #tpu.memory_space<hbm>>, %arg4: memref<16384xi32, #tpu.memory_space<hbm>>, %arg5: memref<16384xi32, #tpu.memory_space<hbm>>, %arg6: memref<1000000x128xf32, #tpu.memory_space<hbm>>, %arg7: memref<1000x128xf32, #tpu.memory_space<hbm>>, %arg8: memref<16384x128xf32, #tpu.memory_space<hbm>>, %arg9: memref<16384x128xf32, #tpu.memory_space<hbm>>, %arg10: memref<16384x128xf32, #tpu.memory_space<hbm>>, %arg11: memref<16384x128xf32, #tpu.memory_space<hbm>>, %arg12: memref<4x512xi32, #tpu.memory_space<vmem>>, %arg13: memref<7x128x128xf32, #tpu.memory_space<vmem>>, %arg14: memref<1000x128xf32, #tpu.memory_space<vmem_shared>>, %arg15: memref<!tpu.dma_semaphore, #tpu.memory_space<semaphore_mem>>, %arg16: memref<!tpu.dma_semaphore, #tpu.memory_space<semaphore_mem>>, %arg17: memref<!tpu.dma_semaphore, #tpu.memory_space<semaphore_mem>>, %arg18: memref<!tpu.dma_semaphore, #tpu.memory_space<semaphore_mem>>, %arg19: memref<!tpu.dma_semaphore, #tpu.memory_space<semaphore_mem>>, %arg20: memref<!tpu.dma_semaphore, #tpu.memory_space<semaphore_mem>>, %arg21: memref<!tpu.dma_semaphore, #tpu.memory_space<semaphore_mem>>, %arg22: memref<!tpu.dma_semaphore, #tpu.memory_space<semaphore_mem>>, %arg23: memref<!tpu.dma_semaphore, #tpu.memory_space<semaphore_mem>>, %arg24: memref<!tpu.dma_semaphore, #tpu.memory_space<semaphore_mem>>, %arg25: memref<!tpu.dma_semaphore, #tpu.memory_space<semaphore_mem>>, %arg26: memref<!tpu.dma_semaphore, #tpu.memory_space<semaphore_mem>>, %arg27: memref<!tpu.dma_semaphore, #tpu.memory_space<semaphore_mem>>, %arg28: memref<!tpu.dma_semaphore, #tpu.memory_space<semaphore_mem>>, %arg29: memref<!tpu.dma_semaphore, #tpu.memory_space<semaphore_mem>>) attributes {dimension_semantics = [#tpu.dimension_semantics<core_parallel>, #tpu.dimension_semantics<subcore_parallel>], iteration_bounds = array<i64: 2, 16>, scalar_prefetch = 0 : i64, scratch_operands = 18 : i64, tpu.core_type = #tpu.core_type<sc_vector_subcore>, window_params = [{transform_indices = #map}, {transform_indices = #map}, {transform_indices = #map}, {transform_indices = #map}, {transform_indices = #map1}, {transform_indices = #map1}, {transform_indices = #map1}, {transform_indices = #map1}, {transform_indices = #map1}, {transform_indices = #map1}]} {
    %mul3A = arith.constant 2 : i32
    %mul3A_0 = arith.muli %arg1, %mul3A : i32
    %add3A = arith.addi %mul3A_0, %arg0 : i32
    %mul3A_1 = arith.constant 512 : i32
    %mul3A_2 = arith.muli %add3A, %mul3A_1 : i32
    %mul3A_3 = arith.constant 128 : i32
    %mul3A_4 = arith.muli %arg1, %mul3A_3 : i32
    %multiple_of3A = tpu.assume_multiple %mul3A_4, 8 : i32
    %lt3A = arith.constant 7 : i32
    %lt3A_5 = arith.cmpi slt, %arg1, %lt3A : i32
    %convert_element_type3A = arith.extui %lt3A_5 : i1 to i32
    %cond3A = arith.constant 0 : i32
    %cond3A_6 = arith.cmpi ne, %convert_element_type3A, %cond3A : i32
    scf.if %cond3A_6 {
      %dma_start3A_923 = arith.constant 0 : i32
      %dma_start3A_924 = tpu.memref_slice %arg14[%multiple_of3A, %dma_start3A_923] : memref<1000x128xf32, #tpu.memory_space<vmem_shared>> -> memref<128x128xf32, #tpu.memory_space<vmem_shared>>
      %dma_start3A_925 = arith.constant 0 : i32
      %dma_start3A_926 = tpu.memref_slice %arg7[%multiple_of3A, %dma_start3A_925] : memref<1000x128xf32, #tpu.memory_space<hbm>> -> memref<128x128xf32, #tpu.memory_space<hbm>>
      tpu.enqueue_dma source(%dma_start3A_926 : memref<128x128xf32, #tpu.memory_space<hbm>>) target(%dma_start3A_924 : memref<128x128xf32, #tpu.memory_space<vmem_shared>>) target_semaphore(%arg29 : memref<!tpu.dma_semaphore, #tpu.memory_space<semaphore_mem>>)
    } else {
    }
    %eq3A = arith.constant 7 : i32
    %eq3A_7 = arith.cmpi eq, %arg1, %eq3A : i32
    %convert_element_type3A_8 = arith.extui %eq3A_7 : i1 to i32
    %cond3A_9 = arith.constant 0 : i32
    %cond3A_10 = arith.cmpi ne, %convert_element_type3A_8, %cond3A_9 : i32
    scf.if %cond3A_10 {
      %dma_start3A_923 = arith.constant 896 : i32
      %dma_start3A_924 = arith.constant 0 : i32
      %dma_start3A_925 = tpu.memref_slice %arg14[%dma_start3A_923, %dma_start3A_924] : memref<1000x128xf32, #tpu.memory_space<vmem_shared>> -> memref<104x128xf32, #tpu.memory_space<vmem_shared>>
      %dma_start3A_926 = arith.constant 896 : i32
      %dma_start3A_927 = arith.constant 0 : i32
      %dma_start3A_928 = tpu.memref_slice %arg7[%dma_start3A_926, %dma_start3A_927] : memref<1000x128xf32, #tpu.memory_space<hbm>> -> memref<104x128xf32, #tpu.memory_space<hbm>>
      tpu.enqueue_dma source(%dma_start3A_928 : memref<104x128xf32, #tpu.memory_space<hbm>>) target(%dma_start3A_925 : memref<104x128xf32, #tpu.memory_space<vmem_shared>>) target_semaphore(%arg29 : memref<!tpu.dma_semaphore, #tpu.memory_space<semaphore_mem>>)
    } else {
    }
    %dma_start3A = arith.constant 0 : i32
    %dma_start3A_11 = arith.constant 0 : i32
    %dma_start3A_12 = tpu.memref_slice %arg12[%dma_start3A, %dma_start3A_11] : memref<4x512xi32, #tpu.memory_space<vmem>> -> memref<1x512xi32, #tpu.memory_space<vmem>>
    %dma_start3A_13 = tpu.memref_squeeze %dma_start3A_12 : memref<1x512xi32, #tpu.memory_space<vmem>> -> memref<512xi32, #tpu.memory_space<vmem>>
    %dma_start3A_14 = tpu.memref_slice %arg2[%mul3A_2] : memref<16384xi32, #tpu.memory_space<hbm>> -> memref<512xi32, #tpu.memory_space<hbm>>
    %dma_start3A_15 = arith.constant 0 : i32
    %dma_start3A_16 = tpu.memref_slice %arg12[%dma_start3A, %dma_start3A_15] : memref<4x512xi32, #tpu.memory_space<vmem>> -> memref<1x512xi32, #tpu.memory_space<vmem>>
    %dma_start3A_17 = tpu.memref_squeeze %dma_start3A_16 : memref<1x512xi32, #tpu.memory_space<vmem>> -> memref<512xi32, #tpu.memory_space<vmem>>
    %dma_start3A_18 = tpu.memref_slice %arg2[%mul3A_2] : memref<16384xi32, #tpu.memory_space<hbm>> -> memref<512xi32, #tpu.memory_space<hbm>>
    tpu.enqueue_dma source(%dma_start3A_18 : memref<512xi32, #tpu.memory_space<hbm>>) target(%dma_start3A_17 : memref<512xi32, #tpu.memory_space<vmem>>) target_semaphore(%arg21 : memref<!tpu.dma_semaphore, #tpu.memory_space<semaphore_mem>>)
    %dma_start3A_19 = arith.constant 1 : i32
    %dma_start3A_20 = arith.constant 0 : i32
    %dma_start3A_21 = tpu.memref_slice %arg12[%dma_start3A_19, %dma_start3A_20] : memref<4x512xi32, #tpu.memory_space<vmem>> -> memref<1x512xi32, #tpu.memory_space<vmem>>
    %dma_start3A_22 = tpu.memref_squeeze %dma_start3A_21 : memref<1x512xi32, #tpu.memory_space<vmem>> -> memref<512xi32, #tpu.memory_space<vmem>>
    %dma_start3A_23 = tpu.memref_slice %arg3[%mul3A_2] : memref<16384xi32, #tpu.memory_space<hbm>> -> memref<512xi32, #tpu.memory_space<hbm>>
    %dma_start3A_24 = arith.constant 0 : i32
    %dma_start3A_25 = tpu.memref_slice %arg12[%dma_start3A_19, %dma_start3A_24] : memref<4x512xi32, #tpu.memory_space<vmem>> -> memref<1x512xi32, #tpu.memory_space<vmem>>
    %dma_start3A_26 = tpu.memref_squeeze %dma_start3A_25 : memref<1x512xi32, #tpu.memory_space<vmem>> -> memref<512xi32, #tpu.memory_space<vmem>>
    %dma_start3A_27 = tpu.memref_slice %arg3[%mul3A_2] : memref<16384xi32, #tpu.memory_space<hbm>> -> memref<512xi32, #tpu.memory_space<hbm>>
    tpu.enqueue_dma source(%dma_start3A_27 : memref<512xi32, #tpu.memory_space<hbm>>) target(%dma_start3A_26 : memref<512xi32, #tpu.memory_space<vmem>>) target_semaphore(%arg23 : memref<!tpu.dma_semaphore, #tpu.memory_space<semaphore_mem>>)
    %dma_start3A_28 = arith.constant 2 : i32
    %dma_start3A_29 = arith.constant 0 : i32
    %dma_start3A_30 = tpu.memref_slice %arg12[%dma_start3A_28, %dma_start3A_29] : memref<4x512xi32, #tpu.memory_space<vmem>> -> memref<1x512xi32, #tpu.memory_space<vmem>>
    %dma_start3A_31 = tpu.memref_squeeze %dma_start3A_30 : memref<1x512xi32, #tpu.memory_space<vmem>> -> memref<512xi32, #tpu.memory_space<vmem>>
    %dma_start3A_32 = tpu.memref_slice %arg4[%mul3A_2] : memref<16384xi32, #tpu.memory_space<hbm>> -> memref<512xi32, #tpu.memory_space<hbm>>
    %dma_start3A_33 = arith.constant 0 : i32
    %dma_start3A_34 = tpu.memref_slice %arg12[%dma_start3A_28, %dma_start3A_33] : memref<4x512xi32, #tpu.memory_space<vmem>> -> memref<1x512xi32, #tpu.memory_space<vmem>>
    %dma_start3A_35 = tpu.memref_squeeze %dma_start3A_34 : memref<1x512xi32, #tpu.memory_space<vmem>> -> memref<512xi32, #tpu.memory_space<vmem>>
    %dma_start3A_36 = tpu.memref_slice %arg4[%mul3A_2] : memref<16384xi32, #tpu.memory_space<hbm>> -> memref<512xi32, #tpu.memory_space<hbm>>
    tpu.enqueue_dma source(%dma_start3A_36 : memref<512xi32, #tpu.memory_space<hbm>>) target(%dma_start3A_35 : memref<512xi32, #tpu.memory_space<vmem>>) target_semaphore(%arg24 : memref<!tpu.dma_semaphore, #tpu.memory_space<semaphore_mem>>)
    %dma_start3A_37 = arith.constant 3 : i32
    %dma_start3A_38 = arith.constant 0 : i32
    %dma_start3A_39 = tpu.memref_slice %arg12[%dma_start3A_37, %dma_start3A_38] : memref<4x512xi32, #tpu.memory_space<vmem>> -> memref<1x512xi32, #tpu.memory_space<vmem>>
    %dma_start3A_40 = tpu.memref_squeeze %dma_start3A_39 : memref<1x512xi32, #tpu.memory_space<vmem>> -> memref<512xi32, #tpu.memory_space<vmem>>
    %dma_start3A_41 = tpu.memref_slice %arg5[%mul3A_2] : memref<16384xi32, #tpu.memory_space<hbm>> -> memref<512xi32, #tpu.memory_space<hbm>>
    %dma_start3A_42 = arith.constant 0 : i32
    %dma_start3A_43 = tpu.memref_slice %arg12[%dma_start3A_37, %dma_start3A_42] : memref<4x512xi32, #tpu.memory_space<vmem>> -> memref<1x512xi32, #tpu.memory_space<vmem>>
    %dma_start3A_44 = tpu.memref_squeeze %dma_start3A_43 : memref<1x512xi32, #tpu.memory_space<vmem>> -> memref<512xi32, #tpu.memory_space<vmem>>
    %dma_start3A_45 = tpu.memref_slice %arg5[%mul3A_2] : memref<16384xi32, #tpu.memory_space<hbm>> -> memref<512xi32, #tpu.memory_space<hbm>>
    tpu.enqueue_dma source(%dma_start3A_45 : memref<512xi32, #tpu.memory_space<hbm>>) target(%dma_start3A_44 : memref<512xi32, #tpu.memory_space<vmem>>) target_semaphore(%arg25 : memref<!tpu.dma_semaphore, #tpu.memory_space<semaphore_mem>>)
    %dma_wait3A = arith.constant 0 : i32
    %dma_wait3A_46 = arith.constant 0 : i32
    %dma_wait3A_47 = tpu.memref_slice %arg12[%dma_wait3A, %dma_wait3A_46] : memref<4x512xi32, #tpu.memory_space<vmem>> -> memref<1x512xi32, #tpu.memory_space<vmem>>
    %dma_wait3A_48 = tpu.memref_squeeze %dma_wait3A_47 : memref<1x512xi32, #tpu.memory_space<vmem>> -> memref<512xi32, #tpu.memory_space<vmem>>
    %dma_wait3A_49 = tpu.memref_slice %arg2[%mul3A_2] : memref<16384xi32, #tpu.memory_space<hbm>> -> memref<512xi32, #tpu.memory_space<hbm>>
    %dma_wait3A_50 = arith.constant 0 : i32
    %dma_wait3A_51 = tpu.memref_slice %arg12[%dma_wait3A, %dma_wait3A_50] : memref<4x512xi32, #tpu.memory_space<vmem>> -> memref<1x512xi32, #tpu.memory_space<vmem>>
    %dma_wait3A_52 = tpu.memref_squeeze %dma_wait3A_51 : memref<1x512xi32, #tpu.memory_space<vmem>> -> memref<512xi32, #tpu.memory_space<vmem>>
    %dma_wait3A_53 = tpu.memref_slice %arg2[%mul3A_2] : memref<16384xi32, #tpu.memory_space<hbm>> -> memref<512xi32, #tpu.memory_space<hbm>>
    tpu.wait_dma2 semaphore(%arg21 : memref<!tpu.dma_semaphore, #tpu.memory_space<semaphore_mem>>) src(%dma_wait3A_53 : memref<512xi32, #tpu.memory_space<hbm>>) dst(%dma_wait3A_52 : memref<512xi32, #tpu.memory_space<vmem>>)
    %dma_start3A_54 = arith.constant 0 : i32
    %dma_start3A_55 = arith.constant 0 : i32
    %dma_start3A_56 = arith.constant 0 : i32
    %dma_start3A_57 = arith.constant 0 : i32
    %dma_start3A_58 = tpu.memref_slice %arg13[%dma_start3A_55, %dma_start3A_56, %dma_start3A_57] : memref<7x128x128xf32, #tpu.memory_space<vmem>> -> memref<1x128x128xf32, #tpu.memory_space<vmem>>
    %dma_start3A_59 = tpu.memref_squeeze %dma_start3A_58 : memref<1x128x128xf32, #tpu.memory_space<vmem>> -> memref<128x128xf32, #tpu.memory_space<vmem>>
    %dma_start3A_60 = arith.constant 0 : i32
    %dma_start3A_61 = tpu.memref_slice %arg12[%dma_start3A_54, %dma_start3A_60] : memref<4x512xi32, #tpu.memory_space<vmem>> -> memref<1x128xi32, #tpu.memory_space<vmem>>
    %dma_start3A_62 = tpu.memref_squeeze %dma_start3A_61 : memref<1x128xi32, #tpu.memory_space<vmem>> -> memref<128xi32, #tpu.memory_space<vmem>>
    %dma_start3A_63 = arith.constant 0 : i32
    %dma_start3A_64 = arith.constant 0 : i32
    %dma_start3A_65 = tpu.memref_slice %arg6[%dma_start3A_63, %dma_start3A_64] : memref<1000000x128xf32, #tpu.memory_space<hbm>> -> memref<1000000x128xf32, #tpu.memory_space<hbm>>
    tpu.enqueue_indirect_dma source(%dma_start3A_65 : memref<1000000x128xf32, #tpu.memory_space<hbm>>) target(%dma_start3A_59 : memref<128x128xf32, #tpu.memory_space<vmem>>) offsets(%dma_start3A_62 : memref<128xi32, #tpu.memory_space<vmem>>) semaphore(%arg15 : memref<!tpu.dma_semaphore, #tpu.memory_space<semaphore_mem>>)
    %dma_start3A_66 = arith.constant 0 : i32
    %dma_start3A_67 = arith.constant 1 : i32
    %dma_start3A_68 = arith.constant 0 : i32
    %dma_start3A_69 = arith.constant 0 : i32
    %dma_start3A_70 = tpu.memref_slice %arg13[%dma_start3A_67, %dma_start3A_68, %dma_start3A_69] : memref<7x128x128xf32, #tpu.memory_space<vmem>> -> memref<1x128x128xf32, #tpu.memory_space<vmem>>
    %dma_start3A_71 = tpu.memref_squeeze %dma_start3A_70 : memref<1x128x128xf32, #tpu.memory_space<vmem>> -> memref<128x128xf32, #tpu.memory_space<vmem>>
    %dma_start3A_72 = arith.constant 128 : i32
    %dma_start3A_73 = tpu.memref_slice %arg12[%dma_start3A_66, %dma_start3A_72] : memref<4x512xi32, #tpu.memory_space<vmem>> -> memref<1x128xi32, #tpu.memory_space<vmem>>
    %dma_start3A_74 = tpu.memref_squeeze %dma_start3A_73 : memref<1x128xi32, #tpu.memory_space<vmem>> -> memref<128xi32, #tpu.memory_space<vmem>>
    %dma_start3A_75 = arith.constant 0 : i32
    %dma_start3A_76 = arith.constant 0 : i32
    %dma_start3A_77 = tpu.memref_slice %arg6[%dma_start3A_75, %dma_start3A_76] : memref<1000000x128xf32, #tpu.memory_space<hbm>> -> memref<1000000x128xf32, #tpu.memory_space<hbm>>
    tpu.enqueue_indirect_dma source(%dma_start3A_77 : memref<1000000x128xf32, #tpu.memory_space<hbm>>) target(%dma_start3A_71 : memref<128x128xf32, #tpu.memory_space<vmem>>) offsets(%dma_start3A_74 : memref<128xi32, #tpu.memory_space<vmem>>) semaphore(%arg16 : memref<!tpu.dma_semaphore, #tpu.memory_space<semaphore_mem>>)
    %dma_start3A_78 = arith.constant 0 : i32
    %dma_start3A_79 = arith.constant 2 : i32
    %dma_start3A_80 = arith.constant 0 : i32
    %dma_start3A_81 = arith.constant 0 : i32
    %dma_start3A_82 = tpu.memref_slice %arg13[%dma_start3A_79, %dma_start3A_80, %dma_start3A_81] : memref<7x128x128xf32, #tpu.memory_space<vmem>> -> memref<1x128x128xf32, #tpu.memory_space<vmem>>
    %dma_start3A_83 = tpu.memref_squeeze %dma_start3A_82 : memref<1x128x128xf32, #tpu.memory_space<vmem>> -> memref<128x128xf32, #tpu.memory_space<vmem>>
    %dma_start3A_84 = arith.constant 256 : i32
    %dma_start3A_85 = tpu.memref_slice %arg12[%dma_start3A_78, %dma_start3A_84] : memref<4x512xi32, #tpu.memory_space<vmem>> -> memref<1x128xi32, #tpu.memory_space<vmem>>
    %dma_start3A_86 = tpu.memref_squeeze %dma_start3A_85 : memref<1x128xi32, #tpu.memory_space<vmem>> -> memref<128xi32, #tpu.memory_space<vmem>>
    %dma_start3A_87 = arith.constant 0 : i32
    %dma_start3A_88 = arith.constant 0 : i32
    %dma_start3A_89 = tpu.memref_slice %arg6[%dma_start3A_87, %dma_start3A_88] : memref<1000000x128xf32, #tpu.memory_space<hbm>> -> memref<1000000x128xf32, #tpu.memory_space<hbm>>
    tpu.enqueue_indirect_dma source(%dma_start3A_89 : memref<1000000x128xf32, #tpu.memory_space<hbm>>) target(%dma_start3A_83 : memref<128x128xf32, #tpu.memory_space<vmem>>) offsets(%dma_start3A_86 : memref<128xi32, #tpu.memory_space<vmem>>) semaphore(%arg17 : memref<!tpu.dma_semaphore, #tpu.memory_space<semaphore_mem>>)
    %dma_start3A_90 = arith.constant 0 : i32
    %dma_start3A_91 = arith.constant 3 : i32
    %dma_start3A_92 = arith.constant 0 : i32
    %dma_start3A_93 = arith.constant 0 : i32
    %dma_start3A_94 = tpu.memref_slice %arg13[%dma_start3A_91, %dma_start3A_92, %dma_start3A_93] : memref<7x128x128xf32, #tpu.memory_space<vmem>> -> memref<1x128x128xf32, #tpu.memory_space<vmem>>
    %dma_start3A_95 = tpu.memref_squeeze %dma_start3A_94 : memref<1x128x128xf32, #tpu.memory_space<vmem>> -> memref<128x128xf32, #tpu.memory_space<vmem>>
    %dma_start3A_96 = arith.constant 384 : i32
    %dma_start3A_97 = tpu.memref_slice %arg12[%dma_start3A_90, %dma_start3A_96] : memref<4x512xi32, #tpu.memory_space<vmem>> -> memref<1x128xi32, #tpu.memory_space<vmem>>
    %dma_start3A_98 = tpu.memref_squeeze %dma_start3A_97 : memref<1x128xi32, #tpu.memory_space<vmem>> -> memref<128xi32, #tpu.memory_space<vmem>>
    %dma_start3A_99 = arith.constant 0 : i32
    %dma_start3A_100 = arith.constant 0 : i32
    %dma_start3A_101 = tpu.memref_slice %arg6[%dma_start3A_99, %dma_start3A_100] : memref<1000000x128xf32, #tpu.memory_space<hbm>> -> memref<1000000x128xf32, #tpu.memory_space<hbm>>
    tpu.enqueue_indirect_dma source(%dma_start3A_101 : memref<1000000x128xf32, #tpu.memory_space<hbm>>) target(%dma_start3A_95 : memref<128x128xf32, #tpu.memory_space<vmem>>) offsets(%dma_start3A_98 : memref<128xi32, #tpu.memory_space<vmem>>) semaphore(%arg18 : memref<!tpu.dma_semaphore, #tpu.memory_space<semaphore_mem>>)
    %dma_wait3A_102 = arith.constant 1 : i32
    %dma_wait3A_103 = arith.constant 0 : i32
    %dma_wait3A_104 = tpu.memref_slice %arg12[%dma_wait3A_102, %dma_wait3A_103] : memref<4x512xi32, #tpu.memory_space<vmem>> -> memref<1x512xi32, #tpu.memory_space<vmem>>
    %dma_wait3A_105 = tpu.memref_squeeze %dma_wait3A_104 : memref<1x512xi32, #tpu.memory_space<vmem>> -> memref<512xi32, #tpu.memory_space<vmem>>
    %dma_wait3A_106 = tpu.memref_slice %arg3[%mul3A_2] : memref<16384xi32, #tpu.memory_space<hbm>> -> memref<512xi32, #tpu.memory_space<hbm>>
    %dma_wait3A_107 = arith.constant 0 : i32
    %dma_wait3A_108 = tpu.memref_slice %arg12[%dma_wait3A_102, %dma_wait3A_107] : memref<4x512xi32, #tpu.memory_space<vmem>> -> memref<1x512xi32, #tpu.memory_space<vmem>>
    %dma_wait3A_109 = tpu.memref_squeeze %dma_wait3A_108 : memref<1x512xi32, #tpu.memory_space<vmem>> -> memref<512xi32, #tpu.memory_space<vmem>>
    %dma_wait3A_110 = tpu.memref_slice %arg3[%mul3A_2] : memref<16384xi32, #tpu.memory_space<hbm>> -> memref<512xi32, #tpu.memory_space<hbm>>
    tpu.wait_dma2 semaphore(%arg23 : memref<!tpu.dma_semaphore, #tpu.memory_space<semaphore_mem>>) src(%dma_wait3A_110 : memref<512xi32, #tpu.memory_space<hbm>>) dst(%dma_wait3A_109 : memref<512xi32, #tpu.memory_space<vmem>>)
    %dma_wait3A_111 = arith.constant 2 : i32
    %dma_wait3A_112 = arith.constant 0 : i32
    %dma_wait3A_113 = tpu.memref_slice %arg12[%dma_wait3A_111, %dma_wait3A_112] : memref<4x512xi32, #tpu.memory_space<vmem>> -> memref<1x512xi32, #tpu.memory_space<vmem>>
    %dma_wait3A_114 = tpu.memref_squeeze %dma_wait3A_113 : memref<1x512xi32, #tpu.memory_space<vmem>> -> memref<512xi32, #tpu.memory_space<vmem>>
    %dma_wait3A_115 = tpu.memref_slice %arg4[%mul3A_2] : memref<16384xi32, #tpu.memory_space<hbm>> -> memref<512xi32, #tpu.memory_space<hbm>>
    %dma_wait3A_116 = arith.constant 0 : i32
    %dma_wait3A_117 = tpu.memref_slice %arg12[%dma_wait3A_111, %dma_wait3A_116] : memref<4x512xi32, #tpu.memory_space<vmem>> -> memref<1x512xi32, #tpu.memory_space<vmem>>
    %dma_wait3A_118 = tpu.memref_squeeze %dma_wait3A_117 : memref<1x512xi32, #tpu.memory_space<vmem>> -> memref<512xi32, #tpu.memory_space<vmem>>
    %dma_wait3A_119 = tpu.memref_slice %arg4[%mul3A_2] : memref<16384xi32, #tpu.memory_space<hbm>> -> memref<512xi32, #tpu.memory_space<hbm>>
    tpu.wait_dma2 semaphore(%arg24 : memref<!tpu.dma_semaphore, #tpu.memory_space<semaphore_mem>>) src(%dma_wait3A_119 : memref<512xi32, #tpu.memory_space<hbm>>) dst(%dma_wait3A_118 : memref<512xi32, #tpu.memory_space<vmem>>)
    %dma_wait3A_120 = arith.constant 3 : i32
    %dma_wait3A_121 = arith.constant 0 : i32
    %dma_wait3A_122 = tpu.memref_slice %arg12[%dma_wait3A_120, %dma_wait3A_121] : memref<4x512xi32, #tpu.memory_space<vmem>> -> memref<1x512xi32, #tpu.memory_space<vmem>>
    %dma_wait3A_123 = tpu.memref_squeeze %dma_wait3A_122 : memref<1x512xi32, #tpu.memory_space<vmem>> -> memref<512xi32, #tpu.memory_space<vmem>>
    %dma_wait3A_124 = tpu.memref_slice %arg5[%mul3A_2] : memref<16384xi32, #tpu.memory_space<hbm>> -> memref<512xi32, #tpu.memory_space<hbm>>
    %dma_wait3A_125 = arith.constant 0 : i32
    %dma_wait3A_126 = tpu.memref_slice %arg12[%dma_wait3A_120, %dma_wait3A_125] : memref<4x512xi32, #tpu.memory_space<vmem>> -> memref<1x512xi32, #tpu.memory_space<vmem>>
    %dma_wait3A_127 = tpu.memref_squeeze %dma_wait3A_126 : memref<1x512xi32, #tpu.memory_space<vmem>> -> memref<512xi32, #tpu.memory_space<vmem>>
    %dma_wait3A_128 = tpu.memref_slice %arg5[%mul3A_2] : memref<16384xi32, #tpu.memory_space<hbm>> -> memref<512xi32, #tpu.memory_space<hbm>>
    tpu.wait_dma2 semaphore(%arg25 : memref<!tpu.dma_semaphore, #tpu.memory_space<semaphore_mem>>) src(%dma_wait3A_128 : memref<512xi32, #tpu.memory_space<hbm>>) dst(%dma_wait3A_127 : memref<512xi32, #tpu.memory_space<vmem>>)
    %dma_start3A_129 = arith.constant 2 : i32
    %dma_start3A_130 = arith.constant 4 : i32
    %dma_start3A_131 = arith.constant 0 : i32
    %dma_start3A_132 = arith.constant 0 : i32
    %dma_start3A_133 = tpu.memref_slice %arg13[%dma_start3A_130, %dma_start3A_131, %dma_start3A_132] : memref<7x128x128xf32, #tpu.memory_space<vmem>> -> memref<1x128x128xf32, #tpu.memory_space<vmem>>
    %dma_start3A_134 = tpu.memref_squeeze %dma_start3A_133 : memref<1x128x128xf32, #tpu.memory_space<vmem>> -> memref<128x128xf32, #tpu.memory_space<vmem>>
    %dma_start3A_135 = arith.constant 0 : i32
    %dma_start3A_136 = tpu.memref_slice %arg12[%dma_start3A_129, %dma_start3A_135] : memref<4x512xi32, #tpu.memory_space<vmem>> -> memref<1x128xi32, #tpu.memory_space<vmem>>
    %dma_start3A_137 = tpu.memref_squeeze %dma_start3A_136 : memref<1x128xi32, #tpu.memory_space<vmem>> -> memref<128xi32, #tpu.memory_space<vmem>>
    %dma_start3A_138 = arith.constant 0 : i32
    %dma_start3A_139 = arith.constant 0 : i32
    %dma_start3A_140 = tpu.memref_slice %arg6[%dma_start3A_138, %dma_start3A_139] : memref<1000000x128xf32, #tpu.memory_space<hbm>> -> memref<1000000x128xf32, #tpu.memory_space<hbm>>
    tpu.enqueue_indirect_dma source(%dma_start3A_140 : memref<1000000x128xf32, #tpu.memory_space<hbm>>) target(%dma_start3A_134 : memref<128x128xf32, #tpu.memory_space<vmem>>) offsets(%dma_start3A_137 : memref<128xi32, #tpu.memory_space<vmem>>) semaphore(%arg19 : memref<!tpu.dma_semaphore, #tpu.memory_space<semaphore_mem>>)
    %dma_wait3A_141 = arith.constant 0 : i32
    %dma_wait3A_142 = arith.constant 0 : i32
    %dma_wait3A_143 = arith.constant 0 : i32
    %dma_wait3A_144 = arith.constant 0 : i32
    %dma_wait3A_145 = tpu.memref_slice %arg13[%dma_wait3A_142, %dma_wait3A_143, %dma_wait3A_144] : memref<7x128x128xf32, #tpu.memory_space<vmem>> -> memref<1x128x128xf32, #tpu.memory_space<vmem>>
    %dma_wait3A_146 = tpu.memref_squeeze %dma_wait3A_145 : memref<1x128x128xf32, #tpu.memory_space<vmem>> -> memref<128x128xf32, #tpu.memory_space<vmem>>
    %dma_wait3A_147 = arith.constant 0 : i32
    %dma_wait3A_148 = tpu.memref_slice %arg12[%dma_wait3A_141, %dma_wait3A_147] : memref<4x512xi32, #tpu.memory_space<vmem>> -> memref<1x128xi32, #tpu.memory_space<vmem>>
    %dma_wait3A_149 = tpu.memref_squeeze %dma_wait3A_148 : memref<1x128xi32, #tpu.memory_space<vmem>> -> memref<128xi32, #tpu.memory_space<vmem>>
    %dma_wait3A_150 = arith.constant 0 : i32
    %dma_wait3A_151 = arith.constant 0 : i32
    %dma_wait3A_152 = tpu.memref_slice %arg6[%dma_wait3A_150, %dma_wait3A_151] : memref<1000000x128xf32, #tpu.memory_space<hbm>> -> memref<1000000x128xf32, #tpu.memory_space<hbm>>
    tpu.wait_indirect_dma semaphore(%arg15 : memref<!tpu.dma_semaphore, #tpu.memory_space<semaphore_mem>>) src(%dma_wait3A_152 : memref<1000000x128xf32, #tpu.memory_space<hbm>>) dst(%dma_wait3A_146 : memref<128x128xf32, #tpu.memory_space<vmem>>)
    %dma_start3A_153 = arith.constant 2 : i32
    %dma_start3A_154 = arith.constant 5 : i32
    %dma_start3A_155 = arith.constant 0 : i32
    %dma_start3A_156 = arith.constant 0 : i32
    %dma_start3A_157 = tpu.memref_slice %arg13[%dma_start3A_154, %dma_start3A_155, %dma_start3A_156] : memref<7x128x128xf32, #tpu.memory_space<vmem>> -> memref<1x128x128xf32, #tpu.memory_space<vmem>>
    %dma_start3A_158 = tpu.memref_squeeze %dma_start3A_157 : memref<1x128x128xf32, #tpu.memory_space<vmem>> -> memref<128x128xf32, #tpu.memory_space<vmem>>
    %dma_start3A_159 = arith.constant 128 : i32
    %dma_start3A_160 = tpu.memref_slice %arg12[%dma_start3A_153, %dma_start3A_159] : memref<4x512xi32, #tpu.memory_space<vmem>> -> memref<1x128xi32, #tpu.memory_space<vmem>>
    %dma_start3A_161 = tpu.memref_squeeze %dma_start3A_160 : memref<1x128xi32, #tpu.memory_space<vmem>> -> memref<128xi32, #tpu.memory_space<vmem>>
    %dma_start3A_162 = arith.constant 0 : i32
    %dma_start3A_163 = arith.constant 0 : i32
    %dma_start3A_164 = tpu.memref_slice %arg6[%dma_start3A_162, %dma_start3A_163] : memref<1000000x128xf32, #tpu.memory_space<hbm>> -> memref<1000000x128xf32, #tpu.memory_space<hbm>>
    tpu.enqueue_indirect_dma source(%dma_start3A_164 : memref<1000000x128xf32, #tpu.memory_space<hbm>>) target(%dma_start3A_158 : memref<128x128xf32, #tpu.memory_space<vmem>>) offsets(%dma_start3A_161 : memref<128xi32, #tpu.memory_space<vmem>>) semaphore(%arg20 : memref<!tpu.dma_semaphore, #tpu.memory_space<semaphore_mem>>)
    %add3A_165 = arith.constant 0 : i32
    %add3A_166 = arith.addi %mul3A_2, %add3A_165 : i32
    %dma_start3A_167 = arith.constant 0 : i32
    %dma_start3A_168 = arith.constant 0 : i32
    %dma_start3A_169 = arith.constant 0 : i32
    %dma_start3A_170 = tpu.memref_slice %arg13[%dma_start3A_167, %dma_start3A_168, %dma_start3A_169] : memref<7x128x128xf32, #tpu.memory_space<vmem>> -> memref<1x128x128xf32, #tpu.memory_space<vmem>>
    %dma_start3A_171 = tpu.memref_squeeze %dma_start3A_170 : memref<1x128x128xf32, #tpu.memory_space<vmem>> -> memref<128x128xf32, #tpu.memory_space<vmem>>
    %dma_start3A_172 = arith.constant 0 : i32
    %dma_start3A_173 = tpu.memref_slice %arg8[%add3A_166, %dma_start3A_172] : memref<16384x128xf32, #tpu.memory_space<hbm>> -> memref<128x128xf32, #tpu.memory_space<hbm>>
    %dma_start3A_174 = arith.constant 0 : i32
    %dma_start3A_175 = tpu.memref_slice %arg8[%add3A_166, %dma_start3A_174] : memref<16384x128xf32, #tpu.memory_space<hbm>> -> memref<128x128xf32, #tpu.memory_space<hbm>>
    %dma_start3A_176 = arith.constant 0 : i32
    %dma_start3A_177 = arith.constant 0 : i32
    %dma_start3A_178 = tpu.memref_slice %arg13[%dma_start3A_167, %dma_start3A_176, %dma_start3A_177] : memref<7x128x128xf32, #tpu.memory_space<vmem>> -> memref<1x128x128xf32, #tpu.memory_space<vmem>>
    %dma_start3A_179 = tpu.memref_squeeze %dma_start3A_178 : memref<1x128x128xf32, #tpu.memory_space<vmem>> -> memref<128x128xf32, #tpu.memory_space<vmem>>
    tpu.enqueue_dma source(%dma_start3A_179 : memref<128x128xf32, #tpu.memory_space<vmem>>) target(%dma_start3A_175 : memref<128x128xf32, #tpu.memory_space<hbm>>) target_semaphore(%arg22 : memref<!tpu.dma_semaphore, #tpu.memory_space<semaphore_mem>>)
    %dma_wait3A_180 = arith.constant 0 : i32
    %dma_wait3A_181 = arith.constant 1 : i32
    %dma_wait3A_182 = arith.constant 0 : i32
    %dma_wait3A_183 = arith.constant 0 : i32
    %dma_wait3A_184 = tpu.memref_slice %arg13[%dma_wait3A_181, %dma_wait3A_182, %dma_wait3A_183] : memref<7x128x128xf32, #tpu.memory_space<vmem>> -> memref<1x128x128xf32, #tpu.memory_space<vmem>>
    %dma_wait3A_185 = tpu.memref_squeeze %dma_wait3A_184 : memref<1x128x128xf32, #tpu.memory_space<vmem>> -> memref<128x128xf32, #tpu.memory_space<vmem>>
    %dma_wait3A_186 = arith.constant 128 : i32
    %dma_wait3A_187 = tpu.memref_slice %arg12[%dma_wait3A_180, %dma_wait3A_186] : memref<4x512xi32, #tpu.memory_space<vmem>> -> memref<1x128xi32, #tpu.memory_space<vmem>>
    %dma_wait3A_188 = tpu.memref_squeeze %dma_wait3A_187 : memref<1x128xi32, #tpu.memory_space<vmem>> -> memref<128xi32, #tpu.memory_space<vmem>>
    %dma_wait3A_189 = arith.constant 0 : i32
    %dma_wait3A_190 = arith.constant 0 : i32
    %dma_wait3A_191 = tpu.memref_slice %arg6[%dma_wait3A_189, %dma_wait3A_190] : memref<1000000x128xf32, #tpu.memory_space<hbm>> -> memref<1000000x128xf32, #tpu.memory_space<hbm>>
    tpu.wait_indirect_dma semaphore(%arg16 : memref<!tpu.dma_semaphore, #tpu.memory_space<semaphore_mem>>) src(%dma_wait3A_191 : memref<1000000x128xf32, #tpu.memory_space<hbm>>) dst(%dma_wait3A_185 : memref<128x128xf32, #tpu.memory_space<vmem>>)
    %dma_start3A_192 = arith.constant 2 : i32
    %dma_start3A_193 = arith.constant 6 : i32
    %dma_start3A_194 = arith.constant 0 : i32
    %dma_start3A_195 = arith.constant 0 : i32
    %dma_start3A_196 = tpu.memref_slice %arg13[%dma_start3A_193, %dma_start3A_194, %dma_start3A_195] : memref<7x128x128xf32, #tpu.memory_space<vmem>> -> memref<1x128x128xf32, #tpu.memory_space<vmem>>
    %dma_start3A_197 = tpu.memref_squeeze %dma_start3A_196 : memref<1x128x128xf32, #tpu.memory_space<vmem>> -> memref<128x128xf32, #tpu.memory_space<vmem>>
    %dma_start3A_198 = arith.constant 256 : i32
    %dma_start3A_199 = tpu.memref_slice %arg12[%dma_start3A_192, %dma_start3A_198] : memref<4x512xi32, #tpu.memory_space<vmem>> -> memref<1x128xi32, #tpu.memory_space<vmem>>
    %dma_start3A_200 = tpu.memref_squeeze %dma_start3A_199 : memref<1x128xi32, #tpu.memory_space<vmem>> -> memref<128xi32, #tpu.memory_space<vmem>>
    %dma_start3A_201 = arith.constant 0 : i32
    %dma_start3A_202 = arith.constant 0 : i32
    %dma_start3A_203 = tpu.memref_slice %arg6[%dma_start3A_201, %dma_start3A_202] : memref<1000000x128xf32, #tpu.memory_space<hbm>> -> memref<1000000x128xf32, #tpu.memory_space<hbm>>
    tpu.enqueue_indirect_dma source(%dma_start3A_203 : memref<1000000x128xf32, #tpu.memory_space<hbm>>) target(%dma_start3A_197 : memref<128x128xf32, #tpu.memory_space<vmem>>) offsets(%dma_start3A_200 : memref<128xi32, #tpu.memory_space<vmem>>) semaphore(%arg21 : memref<!tpu.dma_semaphore, #tpu.memory_space<semaphore_mem>>)
    %add3A_204 = arith.constant 128 : i32
    %add3A_205 = arith.addi %mul3A_2, %add3A_204 : i32
    %dma_start3A_206 = arith.constant 1 : i32
    %dma_start3A_207 = arith.constant 0 : i32
    %dma_start3A_208 = arith.constant 0 : i32
    %dma_start3A_209 = tpu.memref_slice %arg13[%dma_start3A_206, %dma_start3A_207, %dma_start3A_208] : memref<7x128x128xf32, #tpu.memory_space<vmem>> -> memref<1x128x128xf32, #tpu.memory_space<vmem>>
    %dma_start3A_210 = tpu.memref_squeeze %dma_start3A_209 : memref<1x128x128xf32, #tpu.memory_space<vmem>> -> memref<128x128xf32, #tpu.memory_space<vmem>>
    %dma_start3A_211 = arith.constant 0 : i32
    %dma_start3A_212 = tpu.memref_slice %arg8[%add3A_205, %dma_start3A_211] : memref<16384x128xf32, #tpu.memory_space<hbm>> -> memref<128x128xf32, #tpu.memory_space<hbm>>
    %dma_start3A_213 = arith.constant 0 : i32
    %dma_start3A_214 = tpu.memref_slice %arg8[%add3A_205, %dma_start3A_213] : memref<16384x128xf32, #tpu.memory_space<hbm>> -> memref<128x128xf32, #tpu.memory_space<hbm>>
    %dma_start3A_215 = arith.constant 0 : i32
    %dma_start3A_216 = arith.constant 0 : i32
    %dma_start3A_217 = tpu.memref_slice %arg13[%dma_start3A_206, %dma_start3A_215, %dma_start3A_216] : memref<7x128x128xf32, #tpu.memory_space<vmem>> -> memref<1x128x128xf32, #tpu.memory_space<vmem>>
    %dma_start3A_218 = tpu.memref_squeeze %dma_start3A_217 : memref<1x128x128xf32, #tpu.memory_space<vmem>> -> memref<128x128xf32, #tpu.memory_space<vmem>>
    tpu.enqueue_dma source(%dma_start3A_218 : memref<128x128xf32, #tpu.memory_space<vmem>>) target(%dma_start3A_214 : memref<128x128xf32, #tpu.memory_space<hbm>>) target_semaphore(%arg23 : memref<!tpu.dma_semaphore, #tpu.memory_space<semaphore_mem>>)
    %dma_wait3A_219 = arith.constant 0 : i32
    %dma_wait3A_220 = arith.constant 2 : i32
    %dma_wait3A_221 = arith.constant 0 : i32
    %dma_wait3A_222 = arith.constant 0 : i32
    %dma_wait3A_223 = tpu.memref_slice %arg13[%dma_wait3A_220, %dma_wait3A_221, %dma_wait3A_222] : memref<7x128x128xf32, #tpu.memory_space<vmem>> -> memref<1x128x128xf32, #tpu.memory_space<vmem>>
    %dma_wait3A_224 = tpu.memref_squeeze %dma_wait3A_223 : memref<1x128x128xf32, #tpu.memory_space<vmem>> -> memref<128x128xf32, #tpu.memory_space<vmem>>
    %dma_wait3A_225 = arith.constant 256 : i32
    %dma_wait3A_226 = tpu.memref_slice %arg12[%dma_wait3A_219, %dma_wait3A_225] : memref<4x512xi32, #tpu.memory_space<vmem>> -> memref<1x128xi32, #tpu.memory_space<vmem>>
    %dma_wait3A_227 = tpu.memref_squeeze %dma_wait3A_226 : memref<1x128xi32, #tpu.memory_space<vmem>> -> memref<128xi32, #tpu.memory_space<vmem>>
    %dma_wait3A_228 = arith.constant 0 : i32
    %dma_wait3A_229 = arith.constant 0 : i32
    %dma_wait3A_230 = tpu.memref_slice %arg6[%dma_wait3A_228, %dma_wait3A_229] : memref<1000000x128xf32, #tpu.memory_space<hbm>> -> memref<1000000x128xf32, #tpu.memory_space<hbm>>
    tpu.wait_indirect_dma semaphore(%arg17 : memref<!tpu.dma_semaphore, #tpu.memory_space<semaphore_mem>>) src(%dma_wait3A_230 : memref<1000000x128xf32, #tpu.memory_space<hbm>>) dst(%dma_wait3A_224 : memref<128x128xf32, #tpu.memory_space<vmem>>)
    %dma_wait3A_231 = arith.constant 0 : i32
    %dma_wait3A_232 = arith.constant 0 : i32
    %dma_wait3A_233 = arith.constant 0 : i32
    %dma_wait3A_234 = tpu.memref_slice %arg13[%dma_wait3A_231, %dma_wait3A_232, %dma_wait3A_233] : memref<7x128x128xf32, #tpu.memory_space<vmem>> -> memref<1x128x128xf32, #tpu.memory_space<vmem>>
    %dma_wait3A_235 = tpu.memref_squeeze %dma_wait3A_234 : memref<1x128x128xf32, #tpu.memory_space<vmem>> -> memref<128x128xf32, #tpu.memory_space<vmem>>
    %dma_wait3A_236 = arith.constant 0 : i32
    %dma_wait3A_237 = tpu.memref_slice %arg8[%add3A_166, %dma_wait3A_236] : memref<16384x128xf32, #tpu.memory_space<hbm>> -> memref<128x128xf32, #tpu.memory_space<hbm>>
    %dma_wait3A_238 = arith.constant 0 : i32
    %dma_wait3A_239 = tpu.memref_slice %arg8[%add3A_166, %dma_wait3A_238] : memref<16384x128xf32, #tpu.memory_space<hbm>> -> memref<128x128xf32, #tpu.memory_space<hbm>>
    %dma_wait3A_240 = arith.constant 0 : i32
    %dma_wait3A_241 = arith.constant 0 : i32
    %dma_wait3A_242 = tpu.memref_slice %arg13[%dma_wait3A_231, %dma_wait3A_240, %dma_wait3A_241] : memref<7x128x128xf32, #tpu.memory_space<vmem>> -> memref<1x128x128xf32, #tpu.memory_space<vmem>>
    %dma_wait3A_243 = tpu.memref_squeeze %dma_wait3A_242 : memref<1x128x128xf32, #tpu.memory_space<vmem>> -> memref<128x128xf32, #tpu.memory_space<vmem>>
    tpu.wait_dma2 semaphore(%arg22 : memref<!tpu.dma_semaphore, #tpu.memory_space<semaphore_mem>>) src(%dma_wait3A_243 : memref<128x128xf32, #tpu.memory_space<vmem>>) dst(%dma_wait3A_239 : memref<128x128xf32, #tpu.memory_space<hbm>>)
    %dma_start3A_244 = arith.constant 2 : i32
    %dma_start3A_245 = arith.constant 0 : i32
    %dma_start3A_246 = arith.constant 0 : i32
    %dma_start3A_247 = arith.constant 0 : i32
    %dma_start3A_248 = tpu.memref_slice %arg13[%dma_start3A_245, %dma_start3A_246, %dma_start3A_247] : memref<7x128x128xf32, #tpu.memory_space<vmem>> -> memref<1x128x128xf32, #tpu.memory_space<vmem>>
    %dma_start3A_249 = tpu.memref_squeeze %dma_start3A_248 : memref<1x128x128xf32, #tpu.memory_space<vmem>> -> memref<128x128xf32, #tpu.memory_space<vmem>>
    %dma_start3A_250 = arith.constant 384 : i32
    %dma_start3A_251 = tpu.memref_slice %arg12[%dma_start3A_244, %dma_start3A_250] : memref<4x512xi32, #tpu.memory_space<vmem>> -> memref<1x128xi32, #tpu.memory_space<vmem>>
    %dma_start3A_252 = tpu.memref_squeeze %dma_start3A_251 : memref<1x128xi32, #tpu.memory_space<vmem>> -> memref<128xi32, #tpu.memory_space<vmem>>
    %dma_start3A_253 = arith.constant 0 : i32
    %dma_start3A_254 = arith.constant 0 : i32
    %dma_start3A_255 = tpu.memref_slice %arg6[%dma_start3A_253, %dma_start3A_254] : memref<1000000x128xf32, #tpu.memory_space<hbm>> -> memref<1000000x128xf32, #tpu.memory_space<hbm>>
    tpu.enqueue_indirect_dma source(%dma_start3A_255 : memref<1000000x128xf32, #tpu.memory_space<hbm>>) target(%dma_start3A_249 : memref<128x128xf32, #tpu.memory_space<vmem>>) offsets(%dma_start3A_252 : memref<128xi32, #tpu.memory_space<vmem>>) semaphore(%arg15 : memref<!tpu.dma_semaphore, #tpu.memory_space<semaphore_mem>>)
    %add3A_256 = arith.constant 256 : i32
    %add3A_257 = arith.addi %mul3A_2, %add3A_256 : i32
    %dma_start3A_258 = arith.constant 2 : i32
    %dma_start3A_259 = arith.constant 0 : i32
    %dma_start3A_260 = arith.constant 0 : i32
    %dma_start3A_261 = tpu.memref_slice %arg13[%dma_start3A_258, %dma_start3A_259, %dma_start3A_260] : memref<7x128x128xf32, #tpu.memory_space<vmem>> -> memref<1x128x128xf32, #tpu.memory_space<vmem>>
    %dma_start3A_262 = tpu.memref_squeeze %dma_start3A_261 : memref<1x128x128xf32, #tpu.memory_space<vmem>> -> memref<128x128xf32, #tpu.memory_space<vmem>>
    %dma_start3A_263 = arith.constant 0 : i32
    %dma_start3A_264 = tpu.memref_slice %arg8[%add3A_257, %dma_start3A_263] : memref<16384x128xf32, #tpu.memory_space<hbm>> -> memref<128x128xf32, #tpu.memory_space<hbm>>
    %dma_start3A_265 = arith.constant 0 : i32
    %dma_start3A_266 = tpu.memref_slice %arg8[%add3A_257, %dma_start3A_265] : memref<16384x128xf32, #tpu.memory_space<hbm>> -> memref<128x128xf32, #tpu.memory_space<hbm>>
    %dma_start3A_267 = arith.constant 0 : i32
    %dma_start3A_268 = arith.constant 0 : i32
    %dma_start3A_269 = tpu.memref_slice %arg13[%dma_start3A_258, %dma_start3A_267, %dma_start3A_268] : memref<7x128x128xf32, #tpu.memory_space<vmem>> -> memref<1x128x128xf32, #tpu.memory_space<vmem>>
    %dma_start3A_270 = tpu.memref_squeeze %dma_start3A_269 : memref<1x128x128xf32, #tpu.memory_space<vmem>> -> memref<128x128xf32, #tpu.memory_space<vmem>>
    tpu.enqueue_dma source(%dma_start3A_270 : memref<128x128xf32, #tpu.memory_space<vmem>>) target(%dma_start3A_266 : memref<128x128xf32, #tpu.memory_space<hbm>>) target_semaphore(%arg24 : memref<!tpu.dma_semaphore, #tpu.memory_space<semaphore_mem>>)
    %dma_wait3A_271 = arith.constant 0 : i32
    %dma_wait3A_272 = arith.constant 3 : i32
    %dma_wait3A_273 = arith.constant 0 : i32
    %dma_wait3A_274 = arith.constant 0 : i32
    %dma_wait3A_275 = tpu.memref_slice %arg13[%dma_wait3A_272, %dma_wait3A_273, %dma_wait3A_274] : memref<7x128x128xf32, #tpu.memory_space<vmem>> -> memref<1x128x128xf32, #tpu.memory_space<vmem>>
    %dma_wait3A_276 = tpu.memref_squeeze %dma_wait3A_275 : memref<1x128x128xf32, #tpu.memory_space<vmem>> -> memref<128x128xf32, #tpu.memory_space<vmem>>
    %dma_wait3A_277 = arith.constant 384 : i32
    %dma_wait3A_278 = tpu.memref_slice %arg12[%dma_wait3A_271, %dma_wait3A_277] : memref<4x512xi32, #tpu.memory_space<vmem>> -> memref<1x128xi32, #tpu.memory_space<vmem>>
    %dma_wait3A_279 = tpu.memref_squeeze %dma_wait3A_278 : memref<1x128xi32, #tpu.memory_space<vmem>> -> memref<128xi32, #tpu.memory_space<vmem>>
    %dma_wait3A_280 = arith.constant 0 : i32
    %dma_wait3A_281 = arith.constant 0 : i32
    %dma_wait3A_282 = tpu.memref_slice %arg6[%dma_wait3A_280, %dma_wait3A_281] : memref<1000000x128xf32, #tpu.memory_space<hbm>> -> memref<1000000x128xf32, #tpu.memory_space<hbm>>
    tpu.wait_indirect_dma semaphore(%arg18 : memref<!tpu.dma_semaphore, #tpu.memory_space<semaphore_mem>>) src(%dma_wait3A_282 : memref<1000000x128xf32, #tpu.memory_space<hbm>>) dst(%dma_wait3A_276 : memref<128x128xf32, #tpu.memory_space<vmem>>)
    %dma_wait3A_283 = arith.constant 1 : i32
    %dma_wait3A_284 = arith.constant 0 : i32
    %dma_wait3A_285 = arith.constant 0 : i32
    %dma_wait3A_286 = tpu.memref_slice %arg13[%dma_wait3A_283, %dma_wait3A_284, %dma_wait3A_285] : memref<7x128x128xf32, #tpu.memory_space<vmem>> -> memref<1x128x128xf32, #tpu.memory_space<vmem>>
    %dma_wait3A_287 = tpu.memref_squeeze %dma_wait3A_286 : memref<1x128x128xf32, #tpu.memory_space<vmem>> -> memref<128x128xf32, #tpu.memory_space<vmem>>
    %dma_wait3A_288 = arith.constant 0 : i32
    %dma_wait3A_289 = tpu.memref_slice %arg8[%add3A_205, %dma_wait3A_288] : memref<16384x128xf32, #tpu.memory_space<hbm>> -> memref<128x128xf32, #tpu.memory_space<hbm>>
    %dma_wait3A_290 = arith.constant 0 : i32
    %dma_wait3A_291 = tpu.memref_slice %arg8[%add3A_205, %dma_wait3A_290] : memref<16384x128xf32, #tpu.memory_space<hbm>> -> memref<128x128xf32, #tpu.memory_space<hbm>>
    %dma_wait3A_292 = arith.constant 0 : i32
    %dma_wait3A_293 = arith.constant 0 : i32
    %dma_wait3A_294 = tpu.memref_slice %arg13[%dma_wait3A_283, %dma_wait3A_292, %dma_wait3A_293] : memref<7x128x128xf32, #tpu.memory_space<vmem>> -> memref<1x128x128xf32, #tpu.memory_space<vmem>>
    %dma_wait3A_295 = tpu.memref_squeeze %dma_wait3A_294 : memref<1x128x128xf32, #tpu.memory_space<vmem>> -> memref<128x128xf32, #tpu.memory_space<vmem>>
    tpu.wait_dma2 semaphore(%arg23 : memref<!tpu.dma_semaphore, #tpu.memory_space<semaphore_mem>>) src(%dma_wait3A_295 : memref<128x128xf32, #tpu.memory_space<vmem>>) dst(%dma_wait3A_291 : memref<128x128xf32, #tpu.memory_space<hbm>>)
    %dma_start3A_296 = arith.constant 3 : i32
    %dma_start3A_297 = arith.constant 1 : i32
    %dma_start3A_298 = arith.constant 0 : i32
    %dma_start3A_299 = arith.constant 0 : i32
    %dma_start3A_300 = tpu.memref_slice %arg13[%dma_start3A_297, %dma_start3A_298, %dma_start3A_299] : memref<7x128x128xf32, #tpu.memory_space<vmem>> -> memref<1x128x128xf32, #tpu.memory_space<vmem>>
    %dma_start3A_301 = tpu.memref_squeeze %dma_start3A_300 : memref<1x128x128xf32, #tpu.memory_space<vmem>> -> memref<128x128xf32, #tpu.memory_space<vmem>>
    %dma_start3A_302 = arith.constant 0 : i32
    %dma_start3A_303 = tpu.memref_slice %arg12[%dma_start3A_296, %dma_start3A_302] : memref<4x512xi32, #tpu.memory_space<vmem>> -> memref<1x128xi32, #tpu.memory_space<vmem>>
    %dma_start3A_304 = tpu.memref_squeeze %dma_start3A_303 : memref<1x128xi32, #tpu.memory_space<vmem>> -> memref<128xi32, #tpu.memory_space<vmem>>
    %dma_start3A_305 = arith.constant 0 : i32
    %dma_start3A_306 = arith.constant 0 : i32
    %dma_start3A_307 = tpu.memref_slice %arg6[%dma_start3A_305, %dma_start3A_306] : memref<1000000x128xf32, #tpu.memory_space<hbm>> -> memref<1000000x128xf32, #tpu.memory_space<hbm>>
    tpu.enqueue_indirect_dma source(%dma_start3A_307 : memref<1000000x128xf32, #tpu.memory_space<hbm>>) target(%dma_start3A_301 : memref<128x128xf32, #tpu.memory_space<vmem>>) offsets(%dma_start3A_304 : memref<128xi32, #tpu.memory_space<vmem>>) semaphore(%arg16 : memref<!tpu.dma_semaphore, #tpu.memory_space<semaphore_mem>>)
    %add3A_308 = arith.constant 384 : i32
    %add3A_309 = arith.addi %mul3A_2, %add3A_308 : i32
    %dma_start3A_310 = arith.constant 3 : i32
    %dma_start3A_311 = arith.constant 0 : i32
    %dma_start3A_312 = arith.constant 0 : i32
    %dma_start3A_313 = tpu.memref_slice %arg13[%dma_start3A_310, %dma_start3A_311, %dma_start3A_312] : memref<7x128x128xf32, #tpu.memory_space<vmem>> -> memref<1x128x128xf32, #tpu.memory_space<vmem>>
    %dma_start3A_314 = tpu.memref_squeeze %dma_start3A_313 : memref<1x128x128xf32, #tpu.memory_space<vmem>> -> memref<128x128xf32, #tpu.memory_space<vmem>>
    %dma_start3A_315 = arith.constant 0 : i32
    %dma_start3A_316 = tpu.memref_slice %arg8[%add3A_309, %dma_start3A_315] : memref<16384x128xf32, #tpu.memory_space<hbm>> -> memref<128x128xf32, #tpu.memory_space<hbm>>
    %dma_start3A_317 = arith.constant 0 : i32
    %dma_start3A_318 = tpu.memref_slice %arg8[%add3A_309, %dma_start3A_317] : memref<16384x128xf32, #tpu.memory_space<hbm>> -> memref<128x128xf32, #tpu.memory_space<hbm>>
    %dma_start3A_319 = arith.constant 0 : i32
    %dma_start3A_320 = arith.constant 0 : i32
    %dma_start3A_321 = tpu.memref_slice %arg13[%dma_start3A_310, %dma_start3A_319, %dma_start3A_320] : memref<7x128x128xf32, #tpu.memory_space<vmem>> -> memref<1x128x128xf32, #tpu.memory_space<vmem>>
    %dma_start3A_322 = tpu.memref_squeeze %dma_start3A_321 : memref<1x128x128xf32, #tpu.memory_space<vmem>> -> memref<128x128xf32, #tpu.memory_space<vmem>>
    tpu.enqueue_dma source(%dma_start3A_322 : memref<128x128xf32, #tpu.memory_space<vmem>>) target(%dma_start3A_318 : memref<128x128xf32, #tpu.memory_space<hbm>>) target_semaphore(%arg25 : memref<!tpu.dma_semaphore, #tpu.memory_space<semaphore_mem>>)
    %dma_wait3A_323 = arith.constant 2 : i32
    %dma_wait3A_324 = arith.constant 4 : i32
    %dma_wait3A_325 = arith.constant 0 : i32
    %dma_wait3A_326 = arith.constant 0 : i32
    %dma_wait3A_327 = tpu.memref_slice %arg13[%dma_wait3A_324, %dma_wait3A_325, %dma_wait3A_326] : memref<7x128x128xf32, #tpu.memory_space<vmem>> -> memref<1x128x128xf32, #tpu.memory_space<vmem>>
    %dma_wait3A_328 = tpu.memref_squeeze %dma_wait3A_327 : memref<1x128x128xf32, #tpu.memory_space<vmem>> -> memref<128x128xf32, #tpu.memory_space<vmem>>
    %dma_wait3A_329 = arith.constant 0 : i32
    %dma_wait3A_330 = tpu.memref_slice %arg12[%dma_wait3A_323, %dma_wait3A_329] : memref<4x512xi32, #tpu.memory_space<vmem>> -> memref<1x128xi32, #tpu.memory_space<vmem>>
    %dma_wait3A_331 = tpu.memref_squeeze %dma_wait3A_330 : memref<1x128xi32, #tpu.memory_space<vmem>> -> memref<128xi32, #tpu.memory_space<vmem>>
    %dma_wait3A_332 = arith.constant 0 : i32
    %dma_wait3A_333 = arith.constant 0 : i32
    %dma_wait3A_334 = tpu.memref_slice %arg6[%dma_wait3A_332, %dma_wait3A_333] : memref<1000000x128xf32, #tpu.memory_space<hbm>> -> memref<1000000x128xf32, #tpu.memory_space<hbm>>
    tpu.wait_indirect_dma semaphore(%arg19 : memref<!tpu.dma_semaphore, #tpu.memory_space<semaphore_mem>>) src(%dma_wait3A_334 : memref<1000000x128xf32, #tpu.memory_space<hbm>>) dst(%dma_wait3A_328 : memref<128x128xf32, #tpu.memory_space<vmem>>)
    %dma_wait3A_335 = arith.constant 2 : i32
    %dma_wait3A_336 = arith.constant 0 : i32
    %dma_wait3A_337 = arith.constant 0 : i32
    %dma_wait3A_338 = tpu.memref_slice %arg13[%dma_wait3A_335, %dma_wait3A_336, %dma_wait3A_337] : memref<7x128x128xf32, #tpu.memory_space<vmem>> -> memref<1x128x128xf32, #tpu.memory_space<vmem>>
    %dma_wait3A_339 = tpu.memref_squeeze %dma_wait3A_338 : memref<1x128x128xf32, #tpu.memory_space<vmem>> -> memref<128x128xf32, #tpu.memory_space<vmem>>
    %dma_wait3A_340 = arith.constant 0 : i32
    %dma_wait3A_341 = tpu.memref_slice %arg8[%add3A_257, %dma_wait3A_340] : memref<16384x128xf32, #tpu.memory_space<hbm>> -> memref<128x128xf32, #tpu.memory_space<hbm>>
    %dma_wait3A_342 = arith.constant 0 : i32
    %dma_wait3A_343 = tpu.memref_slice %arg8[%add3A_257, %dma_wait3A_342] : memref<16384x128xf32, #tpu.memory_space<hbm>> -> memref<128x128xf32, #tpu.memory_space<hbm>>
    %dma_wait3A_344 = arith.constant 0 : i32
    %dma_wait3A_345 = arith.constant 0 : i32
    %dma_wait3A_346 = tpu.memref_slice %arg13[%dma_wait3A_335, %dma_wait3A_344, %dma_wait3A_345] : memref<7x128x128xf32, #tpu.memory_space<vmem>> -> memref<1x128x128xf32, #tpu.memory_space<vmem>>
    %dma_wait3A_347 = tpu.memref_squeeze %dma_wait3A_346 : memref<1x128x128xf32, #tpu.memory_space<vmem>> -> memref<128x128xf32, #tpu.memory_space<vmem>>
    tpu.wait_dma2 semaphore(%arg24 : memref<!tpu.dma_semaphore, #tpu.memory_space<semaphore_mem>>) src(%dma_wait3A_347 : memref<128x128xf32, #tpu.memory_space<vmem>>) dst(%dma_wait3A_343 : memref<128x128xf32, #tpu.memory_space<hbm>>)
    %dma_start3A_348 = arith.constant 3 : i32
    %dma_start3A_349 = arith.constant 2 : i32
    %dma_start3A_350 = arith.constant 0 : i32
    %dma_start3A_351 = arith.constant 0 : i32
    %dma_start3A_352 = tpu.memref_slice %arg13[%dma_start3A_349, %dma_start3A_350, %dma_start3A_351] : memref<7x128x128xf32, #tpu.memory_space<vmem>> -> memref<1x128x128xf32, #tpu.memory_space<vmem>>
    %dma_start3A_353 = tpu.memref_squeeze %dma_start3A_352 : memref<1x128x128xf32, #tpu.memory_space<vmem>> -> memref<128x128xf32, #tpu.memory_space<vmem>>
    %dma_start3A_354 = arith.constant 128 : i32
    %dma_start3A_355 = tpu.memref_slice %arg12[%dma_start3A_348, %dma_start3A_354] : memref<4x512xi32, #tpu.memory_space<vmem>> -> memref<1x128xi32, #tpu.memory_space<vmem>>
    %dma_start3A_356 = tpu.memref_squeeze %dma_start3A_355 : memref<1x128xi32, #tpu.memory_space<vmem>> -> memref<128xi32, #tpu.memory_space<vmem>>
    %dma_start3A_357 = arith.constant 0 : i32
    %dma_start3A_358 = arith.constant 0 : i32
    %dma_start3A_359 = tpu.memref_slice %arg6[%dma_start3A_357, %dma_start3A_358] : memref<1000000x128xf32, #tpu.memory_space<hbm>> -> memref<1000000x128xf32, #tpu.memory_space<hbm>>
    tpu.enqueue_indirect_dma source(%dma_start3A_359 : memref<1000000x128xf32, #tpu.memory_space<hbm>>) target(%dma_start3A_353 : memref<128x128xf32, #tpu.memory_space<vmem>>) offsets(%dma_start3A_356 : memref<128xi32, #tpu.memory_space<vmem>>) semaphore(%arg17 : memref<!tpu.dma_semaphore, #tpu.memory_space<semaphore_mem>>)
    %add3A_360 = arith.constant 0 : i32
    %add3A_361 = arith.addi %mul3A_2, %add3A_360 : i32
    %dma_start3A_362 = arith.constant 4 : i32
    %dma_start3A_363 = arith.constant 0 : i32
    %dma_start3A_364 = arith.constant 0 : i32
    %dma_start3A_365 = tpu.memref_slice %arg13[%dma_start3A_362, %dma_start3A_363, %dma_start3A_364] : memref<7x128x128xf32, #tpu.memory_space<vmem>> -> memref<1x128x128xf32, #tpu.memory_space<vmem>>
    %dma_start3A_366 = tpu.memref_squeeze %dma_start3A_365 : memref<1x128x128xf32, #tpu.memory_space<vmem>> -> memref<128x128xf32, #tpu.memory_space<vmem>>
    %dma_start3A_367 = arith.constant 0 : i32
    %dma_start3A_368 = tpu.memref_slice %arg10[%add3A_361, %dma_start3A_367] : memref<16384x128xf32, #tpu.memory_space<hbm>> -> memref<128x128xf32, #tpu.memory_space<hbm>>
    %dma_start3A_369 = arith.constant 0 : i32
    %dma_start3A_370 = tpu.memref_slice %arg10[%add3A_361, %dma_start3A_369] : memref<16384x128xf32, #tpu.memory_space<hbm>> -> memref<128x128xf32, #tpu.memory_space<hbm>>
    %dma_start3A_371 = arith.constant 0 : i32
    %dma_start3A_372 = arith.constant 0 : i32
    %dma_start3A_373 = tpu.memref_slice %arg13[%dma_start3A_362, %dma_start3A_371, %dma_start3A_372] : memref<7x128x128xf32, #tpu.memory_space<vmem>> -> memref<1x128x128xf32, #tpu.memory_space<vmem>>
    %dma_start3A_374 = tpu.memref_squeeze %dma_start3A_373 : memref<1x128x128xf32, #tpu.memory_space<vmem>> -> memref<128x128xf32, #tpu.memory_space<vmem>>
    tpu.enqueue_dma source(%dma_start3A_374 : memref<128x128xf32, #tpu.memory_space<vmem>>) target(%dma_start3A_370 : memref<128x128xf32, #tpu.memory_space<hbm>>) target_semaphore(%arg26 : memref<!tpu.dma_semaphore, #tpu.memory_space<semaphore_mem>>)
    %dma_wait3A_375 = arith.constant 2 : i32
    %dma_wait3A_376 = arith.constant 5 : i32
    %dma_wait3A_377 = arith.constant 0 : i32
    %dma_wait3A_378 = arith.constant 0 : i32
    %dma_wait3A_379 = tpu.memref_slice %arg13[%dma_wait3A_376, %dma_wait3A_377, %dma_wait3A_378] : memref<7x128x128xf32, #tpu.memory_space<vmem>> -> memref<1x128x128xf32, #tpu.memory_space<vmem>>
    %dma_wait3A_380 = tpu.memref_squeeze %dma_wait3A_379 : memref<1x128x128xf32, #tpu.memory_space<vmem>> -> memref<128x128xf32, #tpu.memory_space<vmem>>
    %dma_wait3A_381 = arith.constant 128 : i32
    %dma_wait3A_382 = tpu.memref_slice %arg12[%dma_wait3A_375, %dma_wait3A_381] : memref<4x512xi32, #tpu.memory_space<vmem>> -> memref<1x128xi32, #tpu.memory_space<vmem>>
    %dma_wait3A_383 = tpu.memref_squeeze %dma_wait3A_382 : memref<1x128xi32, #tpu.memory_space<vmem>> -> memref<128xi32, #tpu.memory_space<vmem>>
    %dma_wait3A_384 = arith.constant 0 : i32
    %dma_wait3A_385 = arith.constant 0 : i32
    %dma_wait3A_386 = tpu.memref_slice %arg6[%dma_wait3A_384, %dma_wait3A_385] : memref<1000000x128xf32, #tpu.memory_space<hbm>> -> memref<1000000x128xf32, #tpu.memory_space<hbm>>
    tpu.wait_indirect_dma semaphore(%arg20 : memref<!tpu.dma_semaphore, #tpu.memory_space<semaphore_mem>>) src(%dma_wait3A_386 : memref<1000000x128xf32, #tpu.memory_space<hbm>>) dst(%dma_wait3A_380 : memref<128x128xf32, #tpu.memory_space<vmem>>)
    %dma_wait3A_387 = arith.constant 3 : i32
    %dma_wait3A_388 = arith.constant 0 : i32
    %dma_wait3A_389 = arith.constant 0 : i32
    %dma_wait3A_390 = tpu.memref_slice %arg13[%dma_wait3A_387, %dma_wait3A_388, %dma_wait3A_389] : memref<7x128x128xf32, #tpu.memory_space<vmem>> -> memref<1x128x128xf32, #tpu.memory_space<vmem>>
    %dma_wait3A_391 = tpu.memref_squeeze %dma_wait3A_390 : memref<1x128x128xf32, #tpu.memory_space<vmem>> -> memref<128x128xf32, #tpu.memory_space<vmem>>
    %dma_wait3A_392 = arith.constant 0 : i32
    %dma_wait3A_393 = tpu.memref_slice %arg8[%add3A_309, %dma_wait3A_392] : memref<16384x128xf32, #tpu.memory_space<hbm>> -> memref<128x128xf32, #tpu.memory_space<hbm>>
    %dma_wait3A_394 = arith.constant 0 : i32
    %dma_wait3A_395 = tpu.memref_slice %arg8[%add3A_309, %dma_wait3A_394] : memref<16384x128xf32, #tpu.memory_space<hbm>> -> memref<128x128xf32, #tpu.memory_space<hbm>>
    %dma_wait3A_396 = arith.constant 0 : i32
    %dma_wait3A_397 = arith.constant 0 : i32
    %dma_wait3A_398 = tpu.memref_slice %arg13[%dma_wait3A_387, %dma_wait3A_396, %dma_wait3A_397] : memref<7x128x128xf32, #tpu.memory_space<vmem>> -> memref<1x128x128xf32, #tpu.memory_space<vmem>>
    %dma_wait3A_399 = tpu.memref_squeeze %dma_wait3A_398 : memref<1x128x128xf32, #tpu.memory_space<vmem>> -> memref<128x128xf32, #tpu.memory_space<vmem>>
    tpu.wait_dma2 semaphore(%arg25 : memref<!tpu.dma_semaphore, #tpu.memory_space<semaphore_mem>>) src(%dma_wait3A_399 : memref<128x128xf32, #tpu.memory_space<vmem>>) dst(%dma_wait3A_395 : memref<128x128xf32, #tpu.memory_space<hbm>>)
    %dma_start3A_400 = arith.constant 3 : i32
    %dma_start3A_401 = arith.constant 3 : i32
    %dma_start3A_402 = arith.constant 0 : i32
    %dma_start3A_403 = arith.constant 0 : i32
    %dma_start3A_404 = tpu.memref_slice %arg13[%dma_start3A_401, %dma_start3A_402, %dma_start3A_403] : memref<7x128x128xf32, #tpu.memory_space<vmem>> -> memref<1x128x128xf32, #tpu.memory_space<vmem>>
    %dma_start3A_405 = tpu.memref_squeeze %dma_start3A_404 : memref<1x128x128xf32, #tpu.memory_space<vmem>> -> memref<128x128xf32, #tpu.memory_space<vmem>>
    %dma_start3A_406 = arith.constant 256 : i32
    %dma_start3A_407 = tpu.memref_slice %arg12[%dma_start3A_400, %dma_start3A_406] : memref<4x512xi32, #tpu.memory_space<vmem>> -> memref<1x128xi32, #tpu.memory_space<vmem>>
    %dma_start3A_408 = tpu.memref_squeeze %dma_start3A_407 : memref<1x128xi32, #tpu.memory_space<vmem>> -> memref<128xi32, #tpu.memory_space<vmem>>
    %dma_start3A_409 = arith.constant 0 : i32
    %dma_start3A_410 = arith.constant 0 : i32
    %dma_start3A_411 = tpu.memref_slice %arg6[%dma_start3A_409, %dma_start3A_410] : memref<1000000x128xf32, #tpu.memory_space<hbm>> -> memref<1000000x128xf32, #tpu.memory_space<hbm>>
    tpu.enqueue_indirect_dma source(%dma_start3A_411 : memref<1000000x128xf32, #tpu.memory_space<hbm>>) target(%dma_start3A_405 : memref<128x128xf32, #tpu.memory_space<vmem>>) offsets(%dma_start3A_408 : memref<128xi32, #tpu.memory_space<vmem>>) semaphore(%arg18 : memref<!tpu.dma_semaphore, #tpu.memory_space<semaphore_mem>>)
    %add3A_412 = arith.constant 128 : i32
    %add3A_413 = arith.addi %mul3A_2, %add3A_412 : i32
    %dma_start3A_414 = arith.constant 5 : i32
    %dma_start3A_415 = arith.constant 0 : i32
    %dma_start3A_416 = arith.constant 0 : i32
    %dma_start3A_417 = tpu.memref_slice %arg13[%dma_start3A_414, %dma_start3A_415, %dma_start3A_416] : memref<7x128x128xf32, #tpu.memory_space<vmem>> -> memref<1x128x128xf32, #tpu.memory_space<vmem>>
    %dma_start3A_418 = tpu.memref_squeeze %dma_start3A_417 : memref<1x128x128xf32, #tpu.memory_space<vmem>> -> memref<128x128xf32, #tpu.memory_space<vmem>>
    %dma_start3A_419 = arith.constant 0 : i32
    %dma_start3A_420 = tpu.memref_slice %arg10[%add3A_413, %dma_start3A_419] : memref<16384x128xf32, #tpu.memory_space<hbm>> -> memref<128x128xf32, #tpu.memory_space<hbm>>
    %dma_start3A_421 = arith.constant 0 : i32
    %dma_start3A_422 = tpu.memref_slice %arg10[%add3A_413, %dma_start3A_421] : memref<16384x128xf32, #tpu.memory_space<hbm>> -> memref<128x128xf32, #tpu.memory_space<hbm>>
    %dma_start3A_423 = arith.constant 0 : i32
    %dma_start3A_424 = arith.constant 0 : i32
    %dma_start3A_425 = tpu.memref_slice %arg13[%dma_start3A_414, %dma_start3A_423, %dma_start3A_424] : memref<7x128x128xf32, #tpu.memory_space<vmem>> -> memref<1x128x128xf32, #tpu.memory_space<vmem>>
    %dma_start3A_426 = tpu.memref_squeeze %dma_start3A_425 : memref<1x128x128xf32, #tpu.memory_space<vmem>> -> memref<128x128xf32, #tpu.memory_space<vmem>>
    tpu.enqueue_dma source(%dma_start3A_426 : memref<128x128xf32, #tpu.memory_space<vmem>>) target(%dma_start3A_422 : memref<128x128xf32, #tpu.memory_space<hbm>>) target_semaphore(%arg27 : memref<!tpu.dma_semaphore, #tpu.memory_space<semaphore_mem>>)
    %dma_wait3A_427 = arith.constant 2 : i32
    %dma_wait3A_428 = arith.constant 6 : i32
    %dma_wait3A_429 = arith.constant 0 : i32
    %dma_wait3A_430 = arith.constant 0 : i32
    %dma_wait3A_431 = tpu.memref_slice %arg13[%dma_wait3A_428, %dma_wait3A_429, %dma_wait3A_430] : memref<7x128x128xf32, #tpu.memory_space<vmem>> -> memref<1x128x128xf32, #tpu.memory_space<vmem>>
    %dma_wait3A_432 = tpu.memref_squeeze %dma_wait3A_431 : memref<1x128x128xf32, #tpu.memory_space<vmem>> -> memref<128x128xf32, #tpu.memory_space<vmem>>
    %dma_wait3A_433 = arith.constant 256 : i32
    %dma_wait3A_434 = tpu.memref_slice %arg12[%dma_wait3A_427, %dma_wait3A_433] : memref<4x512xi32, #tpu.memory_space<vmem>> -> memref<1x128xi32, #tpu.memory_space<vmem>>
    %dma_wait3A_435 = tpu.memref_squeeze %dma_wait3A_434 : memref<1x128xi32, #tpu.memory_space<vmem>> -> memref<128xi32, #tpu.memory_space<vmem>>
    %dma_wait3A_436 = arith.constant 0 : i32
    %dma_wait3A_437 = arith.constant 0 : i32
    %dma_wait3A_438 = tpu.memref_slice %arg6[%dma_wait3A_436, %dma_wait3A_437] : memref<1000000x128xf32, #tpu.memory_space<hbm>> -> memref<1000000x128xf32, #tpu.memory_space<hbm>>
    tpu.wait_indirect_dma semaphore(%arg21 : memref<!tpu.dma_semaphore, #tpu.memory_space<semaphore_mem>>) src(%dma_wait3A_438 : memref<1000000x128xf32, #tpu.memory_space<hbm>>) dst(%dma_wait3A_432 : memref<128x128xf32, #tpu.memory_space<vmem>>)
    %dma_wait3A_439 = arith.constant 4 : i32
    %dma_wait3A_440 = arith.constant 0 : i32
    %dma_wait3A_441 = arith.constant 0 : i32
    %dma_wait3A_442 = tpu.memref_slice %arg13[%dma_wait3A_439, %dma_wait3A_440, %dma_wait3A_441] : memref<7x128x128xf32, #tpu.memory_space<vmem>> -> memref<1x128x128xf32, #tpu.memory_space<vmem>>
    %dma_wait3A_443 = tpu.memref_squeeze %dma_wait3A_442 : memref<1x128x128xf32, #tpu.memory_space<vmem>> -> memref<128x128xf32, #tpu.memory_space<vmem>>
    %dma_wait3A_444 = arith.constant 0 : i32
    %dma_wait3A_445 = tpu.memref_slice %arg10[%add3A_361, %dma_wait3A_444] : memref<16384x128xf32, #tpu.memory_space<hbm>> -> memref<128x128xf32, #tpu.memory_space<hbm>>
    %dma_wait3A_446 = arith.constant 0 : i32
    %dma_wait3A_447 = tpu.memref_slice %arg10[%add3A_361, %dma_wait3A_446] : memref<16384x128xf32, #tpu.memory_space<hbm>> -> memref<128x128xf32, #tpu.memory_space<hbm>>
    %dma_wait3A_448 = arith.constant 0 : i32
    %dma_wait3A_449 = arith.constant 0 : i32
    %dma_wait3A_450 = tpu.memref_slice %arg13[%dma_wait3A_439, %dma_wait3A_448, %dma_wait3A_449] : memref<7x128x128xf32, #tpu.memory_space<vmem>> -> memref<1x128x128xf32, #tpu.memory_space<vmem>>
    %dma_wait3A_451 = tpu.memref_squeeze %dma_wait3A_450 : memref<1x128x128xf32, #tpu.memory_space<vmem>> -> memref<128x128xf32, #tpu.memory_space<vmem>>
    tpu.wait_dma2 semaphore(%arg26 : memref<!tpu.dma_semaphore, #tpu.memory_space<semaphore_mem>>) src(%dma_wait3A_451 : memref<128x128xf32, #tpu.memory_space<vmem>>) dst(%dma_wait3A_447 : memref<128x128xf32, #tpu.memory_space<hbm>>)
    %dma_start3A_452 = arith.constant 3 : i32
    %dma_start3A_453 = arith.constant 4 : i32
    %dma_start3A_454 = arith.constant 0 : i32
    %dma_start3A_455 = arith.constant 0 : i32
    %dma_start3A_456 = tpu.memref_slice %arg13[%dma_start3A_453, %dma_start3A_454, %dma_start3A_455] : memref<7x128x128xf32, #tpu.memory_space<vmem>> -> memref<1x128x128xf32, #tpu.memory_space<vmem>>
    %dma_start3A_457 = tpu.memref_squeeze %dma_start3A_456 : memref<1x128x128xf32, #tpu.memory_space<vmem>> -> memref<128x128xf32, #tpu.memory_space<vmem>>
    %dma_start3A_458 = arith.constant 384 : i32
    %dma_start3A_459 = tpu.memref_slice %arg12[%dma_start3A_452, %dma_start3A_458] : memref<4x512xi32, #tpu.memory_space<vmem>> -> memref<1x128xi32, #tpu.memory_space<vmem>>
    %dma_start3A_460 = tpu.memref_squeeze %dma_start3A_459 : memref<1x128xi32, #tpu.memory_space<vmem>> -> memref<128xi32, #tpu.memory_space<vmem>>
    %dma_start3A_461 = arith.constant 0 : i32
    %dma_start3A_462 = arith.constant 0 : i32
    %dma_start3A_463 = tpu.memref_slice %arg6[%dma_start3A_461, %dma_start3A_462] : memref<1000000x128xf32, #tpu.memory_space<hbm>> -> memref<1000000x128xf32, #tpu.memory_space<hbm>>
    tpu.enqueue_indirect_dma source(%dma_start3A_463 : memref<1000000x128xf32, #tpu.memory_space<hbm>>) target(%dma_start3A_457 : memref<128x128xf32, #tpu.memory_space<vmem>>) offsets(%dma_start3A_460 : memref<128xi32, #tpu.memory_space<vmem>>) semaphore(%arg19 : memref<!tpu.dma_semaphore, #tpu.memory_space<semaphore_mem>>)
    %add3A_464 = arith.constant 256 : i32
    %add3A_465 = arith.addi %mul3A_2, %add3A_464 : i32
    %dma_start3A_466 = arith.constant 6 : i32
    %dma_start3A_467 = arith.constant 0 : i32
    %dma_start3A_468 = arith.constant 0 : i32
    %dma_start3A_469 = tpu.memref_slice %arg13[%dma_start3A_466, %dma_start3A_467, %dma_start3A_468] : memref<7x128x128xf32, #tpu.memory_space<vmem>> -> memref<1x128x128xf32, #tpu.memory_space<vmem>>
    %dma_start3A_470 = tpu.memref_squeeze %dma_start3A_469 : memref<1x128x128xf32, #tpu.memory_space<vmem>> -> memref<128x128xf32, #tpu.memory_space<vmem>>
    %dma_start3A_471 = arith.constant 0 : i32
    %dma_start3A_472 = tpu.memref_slice %arg10[%add3A_465, %dma_start3A_471] : memref<16384x128xf32, #tpu.memory_space<hbm>> -> memref<128x128xf32, #tpu.memory_space<hbm>>
    %dma_start3A_473 = arith.constant 0 : i32
    %dma_start3A_474 = tpu.memref_slice %arg10[%add3A_465, %dma_start3A_473] : memref<16384x128xf32, #tpu.memory_space<hbm>> -> memref<128x128xf32, #tpu.memory_space<hbm>>
    %dma_start3A_475 = arith.constant 0 : i32
    %dma_start3A_476 = arith.constant 0 : i32
    %dma_start3A_477 = tpu.memref_slice %arg13[%dma_start3A_466, %dma_start3A_475, %dma_start3A_476] : memref<7x128x128xf32, #tpu.memory_space<vmem>> -> memref<1x128x128xf32, #tpu.memory_space<vmem>>
    %dma_start3A_478 = tpu.memref_squeeze %dma_start3A_477 : memref<1x128x128xf32, #tpu.memory_space<vmem>> -> memref<128x128xf32, #tpu.memory_space<vmem>>
    tpu.enqueue_dma source(%dma_start3A_478 : memref<128x128xf32, #tpu.memory_space<vmem>>) target(%dma_start3A_474 : memref<128x128xf32, #tpu.memory_space<hbm>>) target_semaphore(%arg28 : memref<!tpu.dma_semaphore, #tpu.memory_space<semaphore_mem>>)
    %lt3A_479 = arith.constant 7 : i32
    %lt3A_480 = arith.cmpi slt, %arg1, %lt3A_479 : i32
    %convert_element_type3A_481 = arith.extui %lt3A_480 : i1 to i32
    %cond3A_482 = arith.constant 0 : i32
    %cond3A_483 = arith.cmpi ne, %convert_element_type3A_481, %cond3A_482 : i32
    scf.if %cond3A_483 {
      %dma_wait3A_923 = arith.constant 0 : i32
      %dma_wait3A_924 = tpu.memref_slice %arg14[%multiple_of3A, %dma_wait3A_923] : memref<1000x128xf32, #tpu.memory_space<vmem_shared>> -> memref<128x128xf32, #tpu.memory_space<vmem_shared>>
      %dma_wait3A_925 = arith.constant 0 : i32
      %dma_wait3A_926 = tpu.memref_slice %arg7[%multiple_of3A, %dma_wait3A_925] : memref<1000x128xf32, #tpu.memory_space<hbm>> -> memref<128x128xf32, #tpu.memory_space<hbm>>
      tpu.wait_dma2 semaphore(%arg29 : memref<!tpu.dma_semaphore, #tpu.memory_space<semaphore_mem>>) src(%dma_wait3A_926 : memref<128x128xf32, #tpu.memory_space<hbm>>) dst(%dma_wait3A_924 : memref<128x128xf32, #tpu.memory_space<vmem_shared>>)
    } else {
    }
    %eq3A_484 = arith.constant 7 : i32
    %eq3A_485 = arith.cmpi eq, %arg1, %eq3A_484 : i32
    %convert_element_type3A_486 = arith.extui %eq3A_485 : i1 to i32
    %cond3A_487 = arith.constant 0 : i32
    %cond3A_488 = arith.cmpi ne, %convert_element_type3A_486, %cond3A_487 : i32
    scf.if %cond3A_488 {
      %dma_wait3A_923 = arith.constant 896 : i32
      %dma_wait3A_924 = arith.constant 0 : i32
      %dma_wait3A_925 = tpu.memref_slice %arg14[%dma_wait3A_923, %dma_wait3A_924] : memref<1000x128xf32, #tpu.memory_space<vmem_shared>> -> memref<104x128xf32, #tpu.memory_space<vmem_shared>>
      %dma_wait3A_926 = arith.constant 896 : i32
      %dma_wait3A_927 = arith.constant 0 : i32
      %dma_wait3A_928 = tpu.memref_slice %arg7[%dma_wait3A_926, %dma_wait3A_927] : memref<1000x128xf32, #tpu.memory_space<hbm>> -> memref<104x128xf32, #tpu.memory_space<hbm>>
      tpu.wait_dma2 semaphore(%arg29 : memref<!tpu.dma_semaphore, #tpu.memory_space<semaphore_mem>>) src(%dma_wait3A_928 : memref<104x128xf32, #tpu.memory_space<hbm>>) dst(%dma_wait3A_925 : memref<104x128xf32, #tpu.memory_space<vmem_shared>>)
    } else {
    }
    %barrier3A = arith.constant 0 : index
    tpu.barrier barrier_id(%barrier3A)
    %dma_wait3A_489 = arith.constant 2 : i32
    %dma_wait3A_490 = arith.constant 0 : i32
    %dma_wait3A_491 = arith.constant 0 : i32
    %dma_wait3A_492 = arith.constant 0 : i32
    %dma_wait3A_493 = tpu.memref_slice %arg13[%dma_wait3A_490, %dma_wait3A_491, %dma_wait3A_492] : memref<7x128x128xf32, #tpu.memory_space<vmem>> -> memref<1x128x128xf32, #tpu.memory_space<vmem>>
    %dma_wait3A_494 = tpu.memref_squeeze %dma_wait3A_493 : memref<1x128x128xf32, #tpu.memory_space<vmem>> -> memref<128x128xf32, #tpu.memory_space<vmem>>
    %dma_wait3A_495 = arith.constant 384 : i32
    %dma_wait3A_496 = tpu.memref_slice %arg12[%dma_wait3A_489, %dma_wait3A_495] : memref<4x512xi32, #tpu.memory_space<vmem>> -> memref<1x128xi32, #tpu.memory_space<vmem>>
    %dma_wait3A_497 = tpu.memref_squeeze %dma_wait3A_496 : memref<1x128xi32, #tpu.memory_space<vmem>> -> memref<128xi32, #tpu.memory_space<vmem>>
    %dma_wait3A_498 = arith.constant 0 : i32
    %dma_wait3A_499 = arith.constant 0 : i32
    %dma_wait3A_500 = tpu.memref_slice %arg6[%dma_wait3A_498, %dma_wait3A_499] : memref<1000000x128xf32, #tpu.memory_space<hbm>> -> memref<1000000x128xf32, #tpu.memory_space<hbm>>
    tpu.wait_indirect_dma semaphore(%arg15 : memref<!tpu.dma_semaphore, #tpu.memory_space<semaphore_mem>>) src(%dma_wait3A_500 : memref<1000000x128xf32, #tpu.memory_space<hbm>>) dst(%dma_wait3A_494 : memref<128x128xf32, #tpu.memory_space<vmem>>)
    %dma_wait3A_501 = arith.constant 5 : i32
    %dma_wait3A_502 = arith.constant 0 : i32
    %dma_wait3A_503 = arith.constant 0 : i32
    %dma_wait3A_504 = tpu.memref_slice %arg13[%dma_wait3A_501, %dma_wait3A_502, %dma_wait3A_503] : memref<7x128x128xf32, #tpu.memory_space<vmem>> -> memref<1x128x128xf32, #tpu.memory_space<vmem>>
    %dma_wait3A_505 = tpu.memref_squeeze %dma_wait3A_504 : memref<1x128x128xf32, #tpu.memory_space<vmem>> -> memref<128x128xf32, #tpu.memory_space<vmem>>
    %dma_wait3A_506 = arith.constant 0 : i32
    %dma_wait3A_507 = tpu.memref_slice %arg10[%add3A_413, %dma_wait3A_506] : memref<16384x128xf32, #tpu.memory_space<hbm>> -> memref<128x128xf32, #tpu.memory_space<hbm>>
    %dma_wait3A_508 = arith.constant 0 : i32
    %dma_wait3A_509 = tpu.memref_slice %arg10[%add3A_413, %dma_wait3A_508] : memref<16384x128xf32, #tpu.memory_space<hbm>> -> memref<128x128xf32, #tpu.memory_space<hbm>>
    %dma_wait3A_510 = arith.constant 0 : i32
    %dma_wait3A_511 = arith.constant 0 : i32
    %dma_wait3A_512 = tpu.memref_slice %arg13[%dma_wait3A_501, %dma_wait3A_510, %dma_wait3A_511] : memref<7x128x128xf32, #tpu.memory_space<vmem>> -> memref<1x128x128xf32, #tpu.memory_space<vmem>>
    %dma_wait3A_513 = tpu.memref_squeeze %dma_wait3A_512 : memref<1x128x128xf32, #tpu.memory_space<vmem>> -> memref<128x128xf32, #tpu.memory_space<vmem>>
    tpu.wait_dma2 semaphore(%arg27 : memref<!tpu.dma_semaphore, #tpu.memory_space<semaphore_mem>>) src(%dma_wait3A_513 : memref<128x128xf32, #tpu.memory_space<vmem>>) dst(%dma_wait3A_509 : memref<128x128xf32, #tpu.memory_space<hbm>>)
    %dma_start3A_514 = arith.constant 1 : i32
    %dma_start3A_515 = arith.constant 5 : i32
    %dma_start3A_516 = arith.constant 0 : i32
    %dma_start3A_517 = arith.constant 0 : i32
    %dma_start3A_518 = tpu.memref_slice %arg13[%dma_start3A_515, %dma_start3A_516, %dma_start3A_517] : memref<7x128x128xf32, #tpu.memory_space<vmem>> -> memref<1x128x128xf32, #tpu.memory_space<vmem>>
    %dma_start3A_519 = tpu.memref_squeeze %dma_start3A_518 : memref<1x128x128xf32, #tpu.memory_space<vmem>> -> memref<128x128xf32, #tpu.memory_space<vmem>>
    %dma_start3A_520 = arith.constant 0 : i32
    %dma_start3A_521 = tpu.memref_slice %arg12[%dma_start3A_514, %dma_start3A_520] : memref<4x512xi32, #tpu.memory_space<vmem>> -> memref<1x128xi32, #tpu.memory_space<vmem>>
    %dma_start3A_522 = tpu.memref_squeeze %dma_start3A_521 : memref<1x128xi32, #tpu.memory_space<vmem>> -> memref<128xi32, #tpu.memory_space<vmem>>
    %dma_start3A_523 = arith.constant 0 : i32
    %dma_start3A_524 = arith.constant 0 : i32
    %dma_start3A_525 = tpu.memref_slice %arg14[%dma_start3A_523, %dma_start3A_524] : memref<1000x128xf32, #tpu.memory_space<vmem_shared>> -> memref<1000x128xf32, #tpu.memory_space<vmem_shared>>
    tpu.enqueue_indirect_dma source(%dma_start3A_525 : memref<1000x128xf32, #tpu.memory_space<vmem_shared>>) target(%dma_start3A_519 : memref<128x128xf32, #tpu.memory_space<vmem>>) offsets(%dma_start3A_522 : memref<128xi32, #tpu.memory_space<vmem>>) semaphore(%arg20 : memref<!tpu.dma_semaphore, #tpu.memory_space<semaphore_mem>>)
    %add3A_526 = arith.constant 384 : i32
    %add3A_527 = arith.addi %mul3A_2, %add3A_526 : i32
    %dma_start3A_528 = arith.constant 0 : i32
    %dma_start3A_529 = arith.constant 0 : i32
    %dma_start3A_530 = arith.constant 0 : i32
    %dma_start3A_531 = tpu.memref_slice %arg13[%dma_start3A_528, %dma_start3A_529, %dma_start3A_530] : memref<7x128x128xf32, #tpu.memory_space<vmem>> -> memref<1x128x128xf32, #tpu.memory_space<vmem>>
    %dma_start3A_532 = tpu.memref_squeeze %dma_start3A_531 : memref<1x128x128xf32, #tpu.memory_space<vmem>> -> memref<128x128xf32, #tpu.memory_space<vmem>>
    %dma_start3A_533 = arith.constant 0 : i32
    %dma_start3A_534 = tpu.memref_slice %arg10[%add3A_527, %dma_start3A_533] : memref<16384x128xf32, #tpu.memory_space<hbm>> -> memref<128x128xf32, #tpu.memory_space<hbm>>
    %dma_start3A_535 = arith.constant 0 : i32
    %dma_start3A_536 = tpu.memref_slice %arg10[%add3A_527, %dma_start3A_535] : memref<16384x128xf32, #tpu.memory_space<hbm>> -> memref<128x128xf32, #tpu.memory_space<hbm>>
    %dma_start3A_537 = arith.constant 0 : i32
    %dma_start3A_538 = arith.constant 0 : i32
    %dma_start3A_539 = tpu.memref_slice %arg13[%dma_start3A_528, %dma_start3A_537, %dma_start3A_538] : memref<7x128x128xf32, #tpu.memory_space<vmem>> -> memref<1x128x128xf32, #tpu.memory_space<vmem>>
    %dma_start3A_540 = tpu.memref_squeeze %dma_start3A_539 : memref<1x128x128xf32, #tpu.memory_space<vmem>> -> memref<128x128xf32, #tpu.memory_space<vmem>>
    tpu.enqueue_dma source(%dma_start3A_540 : memref<128x128xf32, #tpu.memory_space<vmem>>) target(%dma_start3A_536 : memref<128x128xf32, #tpu.memory_space<hbm>>) target_semaphore(%arg22 : memref<!tpu.dma_semaphore, #tpu.memory_space<semaphore_mem>>)
    %dma_wait3A_541 = arith.constant 3 : i32
    %dma_wait3A_542 = arith.constant 1 : i32
    %dma_wait3A_543 = arith.constant 0 : i32
    %dma_wait3A_544 = arith.constant 0 : i32
    %dma_wait3A_545 = tpu.memref_slice %arg13[%dma_wait3A_542, %dma_wait3A_543, %dma_wait3A_544] : memref<7x128x128xf32, #tpu.memory_space<vmem>> -> memref<1x128x128xf32, #tpu.memory_space<vmem>>
    %dma_wait3A_546 = tpu.memref_squeeze %dma_wait3A_545 : memref<1x128x128xf32, #tpu.memory_space<vmem>> -> memref<128x128xf32, #tpu.memory_space<vmem>>
    %dma_wait3A_547 = arith.constant 0 : i32
    %dma_wait3A_548 = tpu.memref_slice %arg12[%dma_wait3A_541, %dma_wait3A_547] : memref<4x512xi32, #tpu.memory_space<vmem>> -> memref<1x128xi32, #tpu.memory_space<vmem>>
    %dma_wait3A_549 = tpu.memref_squeeze %dma_wait3A_548 : memref<1x128xi32, #tpu.memory_space<vmem>> -> memref<128xi32, #tpu.memory_space<vmem>>
    %dma_wait3A_550 = arith.constant 0 : i32
    %dma_wait3A_551 = arith.constant 0 : i32
    %dma_wait3A_552 = tpu.memref_slice %arg6[%dma_wait3A_550, %dma_wait3A_551] : memref<1000000x128xf32, #tpu.memory_space<hbm>> -> memref<1000000x128xf32, #tpu.memory_space<hbm>>
    tpu.wait_indirect_dma semaphore(%arg16 : memref<!tpu.dma_semaphore, #tpu.memory_space<semaphore_mem>>) src(%dma_wait3A_552 : memref<1000000x128xf32, #tpu.memory_space<hbm>>) dst(%dma_wait3A_546 : memref<128x128xf32, #tpu.memory_space<vmem>>)
    %dma_wait3A_553 = arith.constant 6 : i32
    %dma_wait3A_554 = arith.constant 0 : i32
    %dma_wait3A_555 = arith.constant 0 : i32
    %dma_wait3A_556 = tpu.memref_slice %arg13[%dma_wait3A_553, %dma_wait3A_554, %dma_wait3A_555] : memref<7x128x128xf32, #tpu.memory_space<vmem>> -> memref<1x128x128xf32, #tpu.memory_space<vmem>>
    %dma_wait3A_557 = tpu.memref_squeeze %dma_wait3A_556 : memref<1x128x128xf32, #tpu.memory_space<vmem>> -> memref<128x128xf32, #tpu.memory_space<vmem>>
    %dma_wait3A_558 = arith.constant 0 : i32
    %dma_wait3A_559 = tpu.memref_slice %arg10[%add3A_465, %dma_wait3A_558] : memref<16384x128xf32, #tpu.memory_space<hbm>> -> memref<128x128xf32, #tpu.memory_space<hbm>>
    %dma_wait3A_560 = arith.constant 0 : i32
    %dma_wait3A_561 = tpu.memref_slice %arg10[%add3A_465, %dma_wait3A_560] : memref<16384x128xf32, #tpu.memory_space<hbm>> -> memref<128x128xf32, #tpu.memory_space<hbm>>
    %dma_wait3A_562 = arith.constant 0 : i32
    %dma_wait3A_563 = arith.constant 0 : i32
    %dma_wait3A_564 = tpu.memref_slice %arg13[%dma_wait3A_553, %dma_wait3A_562, %dma_wait3A_563] : memref<7x128x128xf32, #tpu.memory_space<vmem>> -> memref<1x128x128xf32, #tpu.memory_space<vmem>>
    %dma_wait3A_565 = tpu.memref_squeeze %dma_wait3A_564 : memref<1x128x128xf32, #tpu.memory_space<vmem>> -> memref<128x128xf32, #tpu.memory_space<vmem>>
    tpu.wait_dma2 semaphore(%arg28 : memref<!tpu.dma_semaphore, #tpu.memory_space<semaphore_mem>>) src(%dma_wait3A_565 : memref<128x128xf32, #tpu.memory_space<vmem>>) dst(%dma_wait3A_561 : memref<128x128xf32, #tpu.memory_space<hbm>>)
    %dma_start3A_566 = arith.constant 1 : i32
    %dma_start3A_567 = arith.constant 6 : i32
    %dma_start3A_568 = arith.constant 0 : i32
    %dma_start3A_569 = arith.constant 0 : i32
    %dma_start3A_570 = tpu.memref_slice %arg13[%dma_start3A_567, %dma_start3A_568, %dma_start3A_569] : memref<7x128x128xf32, #tpu.memory_space<vmem>> -> memref<1x128x128xf32, #tpu.memory_space<vmem>>
    %dma_start3A_571 = tpu.memref_squeeze %dma_start3A_570 : memref<1x128x128xf32, #tpu.memory_space<vmem>> -> memref<128x128xf32, #tpu.memory_space<vmem>>
    %dma_start3A_572 = arith.constant 128 : i32
    %dma_start3A_573 = tpu.memref_slice %arg12[%dma_start3A_566, %dma_start3A_572] : memref<4x512xi32, #tpu.memory_space<vmem>> -> memref<1x128xi32, #tpu.memory_space<vmem>>
    %dma_start3A_574 = tpu.memref_squeeze %dma_start3A_573 : memref<1x128xi32, #tpu.memory_space<vmem>> -> memref<128xi32, #tpu.memory_space<vmem>>
    %dma_start3A_575 = arith.constant 0 : i32
    %dma_start3A_576 = arith.constant 0 : i32
    %dma_start3A_577 = tpu.memref_slice %arg14[%dma_start3A_575, %dma_start3A_576] : memref<1000x128xf32, #tpu.memory_space<vmem_shared>> -> memref<1000x128xf32, #tpu.memory_space<vmem_shared>>
    tpu.enqueue_indirect_dma source(%dma_start3A_577 : memref<1000x128xf32, #tpu.memory_space<vmem_shared>>) target(%dma_start3A_571 : memref<128x128xf32, #tpu.memory_space<vmem>>) offsets(%dma_start3A_574 : memref<128xi32, #tpu.memory_space<vmem>>) semaphore(%arg21 : memref<!tpu.dma_semaphore, #tpu.memory_space<semaphore_mem>>)
    %add3A_578 = arith.constant 0 : i32
    %add3A_579 = arith.addi %mul3A_2, %add3A_578 : i32
    %dma_start3A_580 = arith.constant 1 : i32
    %dma_start3A_581 = arith.constant 0 : i32
    %dma_start3A_582 = arith.constant 0 : i32
    %dma_start3A_583 = tpu.memref_slice %arg13[%dma_start3A_580, %dma_start3A_581, %dma_start3A_582] : memref<7x128x128xf32, #tpu.memory_space<vmem>> -> memref<1x128x128xf32, #tpu.memory_space<vmem>>
    %dma_start3A_584 = tpu.memref_squeeze %dma_start3A_583 : memref<1x128x128xf32, #tpu.memory_space<vmem>> -> memref<128x128xf32, #tpu.memory_space<vmem>>
    %dma_start3A_585 = arith.constant 0 : i32
    %dma_start3A_586 = tpu.memref_slice %arg11[%add3A_579, %dma_start3A_585] : memref<16384x128xf32, #tpu.memory_space<hbm>> -> memref<128x128xf32, #tpu.memory_space<hbm>>
    %dma_start3A_587 = arith.constant 0 : i32
    %dma_start3A_588 = tpu.memref_slice %arg11[%add3A_579, %dma_start3A_587] : memref<16384x128xf32, #tpu.memory_space<hbm>> -> memref<128x128xf32, #tpu.memory_space<hbm>>
    %dma_start3A_589 = arith.constant 0 : i32
    %dma_start3A_590 = arith.constant 0 : i32
    %dma_start3A_591 = tpu.memref_slice %arg13[%dma_start3A_580, %dma_start3A_589, %dma_start3A_590] : memref<7x128x128xf32, #tpu.memory_space<vmem>> -> memref<1x128x128xf32, #tpu.memory_space<vmem>>
    %dma_start3A_592 = tpu.memref_squeeze %dma_start3A_591 : memref<1x128x128xf32, #tpu.memory_space<vmem>> -> memref<128x128xf32, #tpu.memory_space<vmem>>
    tpu.enqueue_dma source(%dma_start3A_592 : memref<128x128xf32, #tpu.memory_space<vmem>>) target(%dma_start3A_588 : memref<128x128xf32, #tpu.memory_space<hbm>>) target_semaphore(%arg23 : memref<!tpu.dma_semaphore, #tpu.memory_space<semaphore_mem>>)
    %dma_wait3A_593 = arith.constant 3 : i32
    %dma_wait3A_594 = arith.constant 2 : i32
    %dma_wait3A_595 = arith.constant 0 : i32
    %dma_wait3A_596 = arith.constant 0 : i32
    %dma_wait3A_597 = tpu.memref_slice %arg13[%dma_wait3A_594, %dma_wait3A_595, %dma_wait3A_596] : memref<7x128x128xf32, #tpu.memory_space<vmem>> -> memref<1x128x128xf32, #tpu.memory_space<vmem>>
    %dma_wait3A_598 = tpu.memref_squeeze %dma_wait3A_597 : memref<1x128x128xf32, #tpu.memory_space<vmem>> -> memref<128x128xf32, #tpu.memory_space<vmem>>
    %dma_wait3A_599 = arith.constant 128 : i32
    %dma_wait3A_600 = tpu.memref_slice %arg12[%dma_wait3A_593, %dma_wait3A_599] : memref<4x512xi32, #tpu.memory_space<vmem>> -> memref<1x128xi32, #tpu.memory_space<vmem>>
    %dma_wait3A_601 = tpu.memref_squeeze %dma_wait3A_600 : memref<1x128xi32, #tpu.memory_space<vmem>> -> memref<128xi32, #tpu.memory_space<vmem>>
    %dma_wait3A_602 = arith.constant 0 : i32
    %dma_wait3A_603 = arith.constant 0 : i32
    %dma_wait3A_604 = tpu.memref_slice %arg6[%dma_wait3A_602, %dma_wait3A_603] : memref<1000000x128xf32, #tpu.memory_space<hbm>> -> memref<1000000x128xf32, #tpu.memory_space<hbm>>
    tpu.wait_indirect_dma semaphore(%arg17 : memref<!tpu.dma_semaphore, #tpu.memory_space<semaphore_mem>>) src(%dma_wait3A_604 : memref<1000000x128xf32, #tpu.memory_space<hbm>>) dst(%dma_wait3A_598 : memref<128x128xf32, #tpu.memory_space<vmem>>)
    %dma_wait3A_605 = arith.constant 0 : i32
    %dma_wait3A_606 = arith.constant 0 : i32
    %dma_wait3A_607 = arith.constant 0 : i32
    %dma_wait3A_608 = tpu.memref_slice %arg13[%dma_wait3A_605, %dma_wait3A_606, %dma_wait3A_607] : memref<7x128x128xf32, #tpu.memory_space<vmem>> -> memref<1x128x128xf32, #tpu.memory_space<vmem>>
    %dma_wait3A_609 = tpu.memref_squeeze %dma_wait3A_608 : memref<1x128x128xf32, #tpu.memory_space<vmem>> -> memref<128x128xf32, #tpu.memory_space<vmem>>
    %dma_wait3A_610 = arith.constant 0 : i32
    %dma_wait3A_611 = tpu.memref_slice %arg10[%add3A_527, %dma_wait3A_610] : memref<16384x128xf32, #tpu.memory_space<hbm>> -> memref<128x128xf32, #tpu.memory_space<hbm>>
    %dma_wait3A_612 = arith.constant 0 : i32
    %dma_wait3A_613 = tpu.memref_slice %arg10[%add3A_527, %dma_wait3A_612] : memref<16384x128xf32, #tpu.memory_space<hbm>> -> memref<128x128xf32, #tpu.memory_space<hbm>>
    %dma_wait3A_614 = arith.constant 0 : i32
    %dma_wait3A_615 = arith.constant 0 : i32
    %dma_wait3A_616 = tpu.memref_slice %arg13[%dma_wait3A_605, %dma_wait3A_614, %dma_wait3A_615] : memref<7x128x128xf32, #tpu.memory_space<vmem>> -> memref<1x128x128xf32, #tpu.memory_space<vmem>>
    %dma_wait3A_617 = tpu.memref_squeeze %dma_wait3A_616 : memref<1x128x128xf32, #tpu.memory_space<vmem>> -> memref<128x128xf32, #tpu.memory_space<vmem>>
    tpu.wait_dma2 semaphore(%arg22 : memref<!tpu.dma_semaphore, #tpu.memory_space<semaphore_mem>>) src(%dma_wait3A_617 : memref<128x128xf32, #tpu.memory_space<vmem>>) dst(%dma_wait3A_613 : memref<128x128xf32, #tpu.memory_space<hbm>>)
    %dma_start3A_618 = arith.constant 1 : i32
    %dma_start3A_619 = arith.constant 0 : i32
    %dma_start3A_620 = arith.constant 0 : i32
    %dma_start3A_621 = arith.constant 0 : i32
    %dma_start3A_622 = tpu.memref_slice %arg13[%dma_start3A_619, %dma_start3A_620, %dma_start3A_621] : memref<7x128x128xf32, #tpu.memory_space<vmem>> -> memref<1x128x128xf32, #tpu.memory_space<vmem>>
    %dma_start3A_623 = tpu.memref_squeeze %dma_start3A_622 : memref<1x128x128xf32, #tpu.memory_space<vmem>> -> memref<128x128xf32, #tpu.memory_space<vmem>>
    %dma_start3A_624 = arith.constant 256 : i32
    %dma_start3A_625 = tpu.memref_slice %arg12[%dma_start3A_618, %dma_start3A_624] : memref<4x512xi32, #tpu.memory_space<vmem>> -> memref<1x128xi32, #tpu.memory_space<vmem>>
    %dma_start3A_626 = tpu.memref_squeeze %dma_start3A_625 : memref<1x128xi32, #tpu.memory_space<vmem>> -> memref<128xi32, #tpu.memory_space<vmem>>
    %dma_start3A_627 = arith.constant 0 : i32
    %dma_start3A_628 = arith.constant 0 : i32
    %dma_start3A_629 = tpu.memref_slice %arg14[%dma_start3A_627, %dma_start3A_628] : memref<1000x128xf32, #tpu.memory_space<vmem_shared>> -> memref<1000x128xf32, #tpu.memory_space<vmem_shared>>
    tpu.enqueue_indirect_dma source(%dma_start3A_629 : memref<1000x128xf32, #tpu.memory_space<vmem_shared>>) target(%dma_start3A_623 : memref<128x128xf32, #tpu.memory_space<vmem>>) offsets(%dma_start3A_626 : memref<128xi32, #tpu.memory_space<vmem>>) semaphore(%arg15 : memref<!tpu.dma_semaphore, #tpu.memory_space<semaphore_mem>>)
    %add3A_630 = arith.constant 128 : i32
    %add3A_631 = arith.addi %mul3A_2, %add3A_630 : i32
    %dma_start3A_632 = arith.constant 2 : i32
    %dma_start3A_633 = arith.constant 0 : i32
    %dma_start3A_634 = arith.constant 0 : i32
    %dma_start3A_635 = tpu.memref_slice %arg13[%dma_start3A_632, %dma_start3A_633, %dma_start3A_634] : memref<7x128x128xf32, #tpu.memory_space<vmem>> -> memref<1x128x128xf32, #tpu.memory_space<vmem>>
    %dma_start3A_636 = tpu.memref_squeeze %dma_start3A_635 : memref<1x128x128xf32, #tpu.memory_space<vmem>> -> memref<128x128xf32, #tpu.memory_space<vmem>>
    %dma_start3A_637 = arith.constant 0 : i32
    %dma_start3A_638 = tpu.memref_slice %arg11[%add3A_631, %dma_start3A_637] : memref<16384x128xf32, #tpu.memory_space<hbm>> -> memref<128x128xf32, #tpu.memory_space<hbm>>
    %dma_start3A_639 = arith.constant 0 : i32
    %dma_start3A_640 = tpu.memref_slice %arg11[%add3A_631, %dma_start3A_639] : memref<16384x128xf32, #tpu.memory_space<hbm>> -> memref<128x128xf32, #tpu.memory_space<hbm>>
    %dma_start3A_641 = arith.constant 0 : i32
    %dma_start3A_642 = arith.constant 0 : i32
    %dma_start3A_643 = tpu.memref_slice %arg13[%dma_start3A_632, %dma_start3A_641, %dma_start3A_642] : memref<7x128x128xf32, #tpu.memory_space<vmem>> -> memref<1x128x128xf32, #tpu.memory_space<vmem>>
    %dma_start3A_644 = tpu.memref_squeeze %dma_start3A_643 : memref<1x128x128xf32, #tpu.memory_space<vmem>> -> memref<128x128xf32, #tpu.memory_space<vmem>>
    tpu.enqueue_dma source(%dma_start3A_644 : memref<128x128xf32, #tpu.memory_space<vmem>>) target(%dma_start3A_640 : memref<128x128xf32, #tpu.memory_space<hbm>>) target_semaphore(%arg24 : memref<!tpu.dma_semaphore, #tpu.memory_space<semaphore_mem>>)
    %dma_wait3A_645 = arith.constant 3 : i32
    %dma_wait3A_646 = arith.constant 3 : i32
    %dma_wait3A_647 = arith.constant 0 : i32
    %dma_wait3A_648 = arith.constant 0 : i32
    %dma_wait3A_649 = tpu.memref_slice %arg13[%dma_wait3A_646, %dma_wait3A_647, %dma_wait3A_648] : memref<7x128x128xf32, #tpu.memory_space<vmem>> -> memref<1x128x128xf32, #tpu.memory_space<vmem>>
    %dma_wait3A_650 = tpu.memref_squeeze %dma_wait3A_649 : memref<1x128x128xf32, #tpu.memory_space<vmem>> -> memref<128x128xf32, #tpu.memory_space<vmem>>
    %dma_wait3A_651 = arith.constant 256 : i32
    %dma_wait3A_652 = tpu.memref_slice %arg12[%dma_wait3A_645, %dma_wait3A_651] : memref<4x512xi32, #tpu.memory_space<vmem>> -> memref<1x128xi32, #tpu.memory_space<vmem>>
    %dma_wait3A_653 = tpu.memref_squeeze %dma_wait3A_652 : memref<1x128xi32, #tpu.memory_space<vmem>> -> memref<128xi32, #tpu.memory_space<vmem>>
    %dma_wait3A_654 = arith.constant 0 : i32
    %dma_wait3A_655 = arith.constant 0 : i32
    %dma_wait3A_656 = tpu.memref_slice %arg6[%dma_wait3A_654, %dma_wait3A_655] : memref<1000000x128xf32, #tpu.memory_space<hbm>> -> memref<1000000x128xf32, #tpu.memory_space<hbm>>
    tpu.wait_indirect_dma semaphore(%arg18 : memref<!tpu.dma_semaphore, #tpu.memory_space<semaphore_mem>>) src(%dma_wait3A_656 : memref<1000000x128xf32, #tpu.memory_space<hbm>>) dst(%dma_wait3A_650 : memref<128x128xf32, #tpu.memory_space<vmem>>)
    %dma_wait3A_657 = arith.constant 1 : i32
    %dma_wait3A_658 = arith.constant 0 : i32
    %dma_wait3A_659 = arith.constant 0 : i32
    %dma_wait3A_660 = tpu.memref_slice %arg13[%dma_wait3A_657, %dma_wait3A_658, %dma_wait3A_659] : memref<7x128x128xf32, #tpu.memory_space<vmem>> -> memref<1x128x128xf32, #tpu.memory_space<vmem>>
    %dma_wait3A_661 = tpu.memref_squeeze %dma_wait3A_660 : memref<1x128x128xf32, #tpu.memory_space<vmem>> -> memref<128x128xf32, #tpu.memory_space<vmem>>
    %dma_wait3A_662 = arith.constant 0 : i32
    %dma_wait3A_663 = tpu.memref_slice %arg11[%add3A_579, %dma_wait3A_662] : memref<16384x128xf32, #tpu.memory_space<hbm>> -> memref<128x128xf32, #tpu.memory_space<hbm>>
    %dma_wait3A_664 = arith.constant 0 : i32
    %dma_wait3A_665 = tpu.memref_slice %arg11[%add3A_579, %dma_wait3A_664] : memref<16384x128xf32, #tpu.memory_space<hbm>> -> memref<128x128xf32, #tpu.memory_space<hbm>>
    %dma_wait3A_666 = arith.constant 0 : i32
    %dma_wait3A_667 = arith.constant 0 : i32
    %dma_wait3A_668 = tpu.memref_slice %arg13[%dma_wait3A_657, %dma_wait3A_666, %dma_wait3A_667] : memref<7x128x128xf32, #tpu.memory_space<vmem>> -> memref<1x128x128xf32, #tpu.memory_space<vmem>>
    %dma_wait3A_669 = tpu.memref_squeeze %dma_wait3A_668 : memref<1x128x128xf32, #tpu.memory_space<vmem>> -> memref<128x128xf32, #tpu.memory_space<vmem>>
    tpu.wait_dma2 semaphore(%arg23 : memref<!tpu.dma_semaphore, #tpu.memory_space<semaphore_mem>>) src(%dma_wait3A_669 : memref<128x128xf32, #tpu.memory_space<vmem>>) dst(%dma_wait3A_665 : memref<128x128xf32, #tpu.memory_space<hbm>>)
    %dma_start3A_670 = arith.constant 1 : i32
    %dma_start3A_671 = arith.constant 1 : i32
    %dma_start3A_672 = arith.constant 0 : i32
    %dma_start3A_673 = arith.constant 0 : i32
    %dma_start3A_674 = tpu.memref_slice %arg13[%dma_start3A_671, %dma_start3A_672, %dma_start3A_673] : memref<7x128x128xf32, #tpu.memory_space<vmem>> -> memref<1x128x128xf32, #tpu.memory_space<vmem>>
    %dma_start3A_675 = tpu.memref_squeeze %dma_start3A_674 : memref<1x128x128xf32, #tpu.memory_space<vmem>> -> memref<128x128xf32, #tpu.memory_space<vmem>>
    %dma_start3A_676 = arith.constant 384 : i32
    %dma_start3A_677 = tpu.memref_slice %arg12[%dma_start3A_670, %dma_start3A_676] : memref<4x512xi32, #tpu.memory_space<vmem>> -> memref<1x128xi32, #tpu.memory_space<vmem>>
    %dma_start3A_678 = tpu.memref_squeeze %dma_start3A_677 : memref<1x128xi32, #tpu.memory_space<vmem>> -> memref<128xi32, #tpu.memory_space<vmem>>
    %dma_start3A_679 = arith.constant 0 : i32
    %dma_start3A_680 = arith.constant 0 : i32
    %dma_start3A_681 = tpu.memref_slice %arg14[%dma_start3A_679, %dma_start3A_680] : memref<1000x128xf32, #tpu.memory_space<vmem_shared>> -> memref<1000x128xf32, #tpu.memory_space<vmem_shared>>
    tpu.enqueue_indirect_dma source(%dma_start3A_681 : memref<1000x128xf32, #tpu.memory_space<vmem_shared>>) target(%dma_start3A_675 : memref<128x128xf32, #tpu.memory_space<vmem>>) offsets(%dma_start3A_678 : memref<128xi32, #tpu.memory_space<vmem>>) semaphore(%arg16 : memref<!tpu.dma_semaphore, #tpu.memory_space<semaphore_mem>>)
    %add3A_682 = arith.constant 256 : i32
    %add3A_683 = arith.addi %mul3A_2, %add3A_682 : i32
    %dma_start3A_684 = arith.constant 3 : i32
    %dma_start3A_685 = arith.constant 0 : i32
    %dma_start3A_686 = arith.constant 0 : i32
    %dma_start3A_687 = tpu.memref_slice %arg13[%dma_start3A_684, %dma_start3A_685, %dma_start3A_686] : memref<7x128x128xf32, #tpu.memory_space<vmem>> -> memref<1x128x128xf32, #tpu.memory_space<vmem>>
    %dma_start3A_688 = tpu.memref_squeeze %dma_start3A_687 : memref<1x128x128xf32, #tpu.memory_space<vmem>> -> memref<128x128xf32, #tpu.memory_space<vmem>>
    %dma_start3A_689 = arith.constant 0 : i32
    %dma_start3A_690 = tpu.memref_slice %arg11[%add3A_683, %dma_start3A_689] : memref<16384x128xf32, #tpu.memory_space<hbm>> -> memref<128x128xf32, #tpu.memory_space<hbm>>
    %dma_start3A_691 = arith.constant 0 : i32
    %dma_start3A_692 = tpu.memref_slice %arg11[%add3A_683, %dma_start3A_691] : memref<16384x128xf32, #tpu.memory_space<hbm>> -> memref<128x128xf32, #tpu.memory_space<hbm>>
    %dma_start3A_693 = arith.constant 0 : i32
    %dma_start3A_694 = arith.constant 0 : i32
    %dma_start3A_695 = tpu.memref_slice %arg13[%dma_start3A_684, %dma_start3A_693, %dma_start3A_694] : memref<7x128x128xf32, #tpu.memory_space<vmem>> -> memref<1x128x128xf32, #tpu.memory_space<vmem>>
    %dma_start3A_696 = tpu.memref_squeeze %dma_start3A_695 : memref<1x128x128xf32, #tpu.memory_space<vmem>> -> memref<128x128xf32, #tpu.memory_space<vmem>>
    tpu.enqueue_dma source(%dma_start3A_696 : memref<128x128xf32, #tpu.memory_space<vmem>>) target(%dma_start3A_692 : memref<128x128xf32, #tpu.memory_space<hbm>>) target_semaphore(%arg25 : memref<!tpu.dma_semaphore, #tpu.memory_space<semaphore_mem>>)
    %dma_wait3A_697 = arith.constant 3 : i32
    %dma_wait3A_698 = arith.constant 4 : i32
    %dma_wait3A_699 = arith.constant 0 : i32
    %dma_wait3A_700 = arith.constant 0 : i32
    %dma_wait3A_701 = tpu.memref_slice %arg13[%dma_wait3A_698, %dma_wait3A_699, %dma_wait3A_700] : memref<7x128x128xf32, #tpu.memory_space<vmem>> -> memref<1x128x128xf32, #tpu.memory_space<vmem>>
    %dma_wait3A_702 = tpu.memref_squeeze %dma_wait3A_701 : memref<1x128x128xf32, #tpu.memory_space<vmem>> -> memref<128x128xf32, #tpu.memory_space<vmem>>
    %dma_wait3A_703 = arith.constant 384 : i32
    %dma_wait3A_704 = tpu.memref_slice %arg12[%dma_wait3A_697, %dma_wait3A_703] : memref<4x512xi32, #tpu.memory_space<vmem>> -> memref<1x128xi32, #tpu.memory_space<vmem>>
    %dma_wait3A_705 = tpu.memref_squeeze %dma_wait3A_704 : memref<1x128xi32, #tpu.memory_space<vmem>> -> memref<128xi32, #tpu.memory_space<vmem>>
    %dma_wait3A_706 = arith.constant 0 : i32
    %dma_wait3A_707 = arith.constant 0 : i32
    %dma_wait3A_708 = tpu.memref_slice %arg6[%dma_wait3A_706, %dma_wait3A_707] : memref<1000000x128xf32, #tpu.memory_space<hbm>> -> memref<1000000x128xf32, #tpu.memory_space<hbm>>
    tpu.wait_indirect_dma semaphore(%arg19 : memref<!tpu.dma_semaphore, #tpu.memory_space<semaphore_mem>>) src(%dma_wait3A_708 : memref<1000000x128xf32, #tpu.memory_space<hbm>>) dst(%dma_wait3A_702 : memref<128x128xf32, #tpu.memory_space<vmem>>)
    %add3A_709 = arith.constant 384 : i32
    %add3A_710 = arith.addi %mul3A_2, %add3A_709 : i32
    %dma_start3A_711 = arith.constant 4 : i32
    %dma_start3A_712 = arith.constant 0 : i32
    %dma_start3A_713 = arith.constant 0 : i32
    %dma_start3A_714 = tpu.memref_slice %arg13[%dma_start3A_711, %dma_start3A_712, %dma_start3A_713] : memref<7x128x128xf32, #tpu.memory_space<vmem>> -> memref<1x128x128xf32, #tpu.memory_space<vmem>>
    %dma_start3A_715 = tpu.memref_squeeze %dma_start3A_714 : memref<1x128x128xf32, #tpu.memory_space<vmem>> -> memref<128x128xf32, #tpu.memory_space<vmem>>
    %dma_start3A_716 = arith.constant 0 : i32
    %dma_start3A_717 = tpu.memref_slice %arg11[%add3A_710, %dma_start3A_716] : memref<16384x128xf32, #tpu.memory_space<hbm>> -> memref<128x128xf32, #tpu.memory_space<hbm>>
    %dma_start3A_718 = arith.constant 0 : i32
    %dma_start3A_719 = tpu.memref_slice %arg11[%add3A_710, %dma_start3A_718] : memref<16384x128xf32, #tpu.memory_space<hbm>> -> memref<128x128xf32, #tpu.memory_space<hbm>>
    %dma_start3A_720 = arith.constant 0 : i32
    %dma_start3A_721 = arith.constant 0 : i32
    %dma_start3A_722 = tpu.memref_slice %arg13[%dma_start3A_711, %dma_start3A_720, %dma_start3A_721] : memref<7x128x128xf32, #tpu.memory_space<vmem>> -> memref<1x128x128xf32, #tpu.memory_space<vmem>>
    %dma_start3A_723 = tpu.memref_squeeze %dma_start3A_722 : memref<1x128x128xf32, #tpu.memory_space<vmem>> -> memref<128x128xf32, #tpu.memory_space<vmem>>
    tpu.enqueue_dma source(%dma_start3A_723 : memref<128x128xf32, #tpu.memory_space<vmem>>) target(%dma_start3A_719 : memref<128x128xf32, #tpu.memory_space<hbm>>) target_semaphore(%arg26 : memref<!tpu.dma_semaphore, #tpu.memory_space<semaphore_mem>>)
    %dma_wait3A_724 = arith.constant 1 : i32
    %dma_wait3A_725 = arith.constant 5 : i32
    %dma_wait3A_726 = arith.constant 0 : i32
    %dma_wait3A_727 = arith.constant 0 : i32
    %dma_wait3A_728 = tpu.memref_slice %arg13[%dma_wait3A_725, %dma_wait3A_726, %dma_wait3A_727] : memref<7x128x128xf32, #tpu.memory_space<vmem>> -> memref<1x128x128xf32, #tpu.memory_space<vmem>>
    %dma_wait3A_729 = tpu.memref_squeeze %dma_wait3A_728 : memref<1x128x128xf32, #tpu.memory_space<vmem>> -> memref<128x128xf32, #tpu.memory_space<vmem>>
    %dma_wait3A_730 = arith.constant 0 : i32
    %dma_wait3A_731 = tpu.memref_slice %arg12[%dma_wait3A_724, %dma_wait3A_730] : memref<4x512xi32, #tpu.memory_space<vmem>> -> memref<1x128xi32, #tpu.memory_space<vmem>>
    %dma_wait3A_732 = tpu.memref_squeeze %dma_wait3A_731 : memref<1x128xi32, #tpu.memory_space<vmem>> -> memref<128xi32, #tpu.memory_space<vmem>>
    %dma_wait3A_733 = arith.constant 0 : i32
    %dma_wait3A_734 = arith.constant 0 : i32
    %dma_wait3A_735 = tpu.memref_slice %arg14[%dma_wait3A_733, %dma_wait3A_734] : memref<1000x128xf32, #tpu.memory_space<vmem_shared>> -> memref<1000x128xf32, #tpu.memory_space<vmem_shared>>
    tpu.wait_indirect_dma semaphore(%arg20 : memref<!tpu.dma_semaphore, #tpu.memory_space<semaphore_mem>>) src(%dma_wait3A_735 : memref<1000x128xf32, #tpu.memory_space<vmem_shared>>) dst(%dma_wait3A_729 : memref<128x128xf32, #tpu.memory_space<vmem>>)
    %add3A_736 = arith.constant 0 : i32
    %add3A_737 = arith.addi %mul3A_2, %add3A_736 : i32
    %dma_start3A_738 = arith.constant 5 : i32
    %dma_start3A_739 = arith.constant 0 : i32
    %dma_start3A_740 = arith.constant 0 : i32
    %dma_start3A_741 = tpu.memref_slice %arg13[%dma_start3A_738, %dma_start3A_739, %dma_start3A_740] : memref<7x128x128xf32, #tpu.memory_space<vmem>> -> memref<1x128x128xf32, #tpu.memory_space<vmem>>
    %dma_start3A_742 = tpu.memref_squeeze %dma_start3A_741 : memref<1x128x128xf32, #tpu.memory_space<vmem>> -> memref<128x128xf32, #tpu.memory_space<vmem>>
    %dma_start3A_743 = arith.constant 0 : i32
    %dma_start3A_744 = tpu.memref_slice %arg9[%add3A_737, %dma_start3A_743] : memref<16384x128xf32, #tpu.memory_space<hbm>> -> memref<128x128xf32, #tpu.memory_space<hbm>>
    %dma_start3A_745 = arith.constant 0 : i32
    %dma_start3A_746 = tpu.memref_slice %arg9[%add3A_737, %dma_start3A_745] : memref<16384x128xf32, #tpu.memory_space<hbm>> -> memref<128x128xf32, #tpu.memory_space<hbm>>
    %dma_start3A_747 = arith.constant 0 : i32
    %dma_start3A_748 = arith.constant 0 : i32
    %dma_start3A_749 = tpu.memref_slice %arg13[%dma_start3A_738, %dma_start3A_747, %dma_start3A_748] : memref<7x128x128xf32, #tpu.memory_space<vmem>> -> memref<1x128x128xf32, #tpu.memory_space<vmem>>
    %dma_start3A_750 = tpu.memref_squeeze %dma_start3A_749 : memref<1x128x128xf32, #tpu.memory_space<vmem>> -> memref<128x128xf32, #tpu.memory_space<vmem>>
    tpu.enqueue_dma source(%dma_start3A_750 : memref<128x128xf32, #tpu.memory_space<vmem>>) target(%dma_start3A_746 : memref<128x128xf32, #tpu.memory_space<hbm>>) target_semaphore(%arg27 : memref<!tpu.dma_semaphore, #tpu.memory_space<semaphore_mem>>)
    %dma_wait3A_751 = arith.constant 1 : i32
    %dma_wait3A_752 = arith.constant 6 : i32
    %dma_wait3A_753 = arith.constant 0 : i32
    %dma_wait3A_754 = arith.constant 0 : i32
    %dma_wait3A_755 = tpu.memref_slice %arg13[%dma_wait3A_752, %dma_wait3A_753, %dma_wait3A_754] : memref<7x128x128xf32, #tpu.memory_space<vmem>> -> memref<1x128x128xf32, #tpu.memory_space<vmem>>
    %dma_wait3A_756 = tpu.memref_squeeze %dma_wait3A_755 : memref<1x128x128xf32, #tpu.memory_space<vmem>> -> memref<128x128xf32, #tpu.memory_space<vmem>>
    %dma_wait3A_757 = arith.constant 128 : i32
    %dma_wait3A_758 = tpu.memref_slice %arg12[%dma_wait3A_751, %dma_wait3A_757] : memref<4x512xi32, #tpu.memory_space<vmem>> -> memref<1x128xi32, #tpu.memory_space<vmem>>
    %dma_wait3A_759 = tpu.memref_squeeze %dma_wait3A_758 : memref<1x128xi32, #tpu.memory_space<vmem>> -> memref<128xi32, #tpu.memory_space<vmem>>
    %dma_wait3A_760 = arith.constant 0 : i32
    %dma_wait3A_761 = arith.constant 0 : i32
    %dma_wait3A_762 = tpu.memref_slice %arg14[%dma_wait3A_760, %dma_wait3A_761] : memref<1000x128xf32, #tpu.memory_space<vmem_shared>> -> memref<1000x128xf32, #tpu.memory_space<vmem_shared>>
    tpu.wait_indirect_dma semaphore(%arg21 : memref<!tpu.dma_semaphore, #tpu.memory_space<semaphore_mem>>) src(%dma_wait3A_762 : memref<1000x128xf32, #tpu.memory_space<vmem_shared>>) dst(%dma_wait3A_756 : memref<128x128xf32, #tpu.memory_space<vmem>>)
    %add3A_763 = arith.constant 128 : i32
    %add3A_764 = arith.addi %mul3A_2, %add3A_763 : i32
    %dma_start3A_765 = arith.constant 6 : i32
    %dma_start3A_766 = arith.constant 0 : i32
    %dma_start3A_767 = arith.constant 0 : i32
    %dma_start3A_768 = tpu.memref_slice %arg13[%dma_start3A_765, %dma_start3A_766, %dma_start3A_767] : memref<7x128x128xf32, #tpu.memory_space<vmem>> -> memref<1x128x128xf32, #tpu.memory_space<vmem>>
    %dma_start3A_769 = tpu.memref_squeeze %dma_start3A_768 : memref<1x128x128xf32, #tpu.memory_space<vmem>> -> memref<128x128xf32, #tpu.memory_space<vmem>>
    %dma_start3A_770 = arith.constant 0 : i32
    %dma_start3A_771 = tpu.memref_slice %arg9[%add3A_764, %dma_start3A_770] : memref<16384x128xf32, #tpu.memory_space<hbm>> -> memref<128x128xf32, #tpu.memory_space<hbm>>
    %dma_start3A_772 = arith.constant 0 : i32
    %dma_start3A_773 = tpu.memref_slice %arg9[%add3A_764, %dma_start3A_772] : memref<16384x128xf32, #tpu.memory_space<hbm>> -> memref<128x128xf32, #tpu.memory_space<hbm>>
    %dma_start3A_774 = arith.constant 0 : i32
    %dma_start3A_775 = arith.constant 0 : i32
    %dma_start3A_776 = tpu.memref_slice %arg13[%dma_start3A_765, %dma_start3A_774, %dma_start3A_775] : memref<7x128x128xf32, #tpu.memory_space<vmem>> -> memref<1x128x128xf32, #tpu.memory_space<vmem>>
    %dma_start3A_777 = tpu.memref_squeeze %dma_start3A_776 : memref<1x128x128xf32, #tpu.memory_space<vmem>> -> memref<128x128xf32, #tpu.memory_space<vmem>>
    tpu.enqueue_dma source(%dma_start3A_777 : memref<128x128xf32, #tpu.memory_space<vmem>>) target(%dma_start3A_773 : memref<128x128xf32, #tpu.memory_space<hbm>>) target_semaphore(%arg28 : memref<!tpu.dma_semaphore, #tpu.memory_space<semaphore_mem>>)
    %dma_wait3A_778 = arith.constant 1 : i32
    %dma_wait3A_779 = arith.constant 0 : i32
    %dma_wait3A_780 = arith.constant 0 : i32
    %dma_wait3A_781 = arith.constant 0 : i32
    %dma_wait3A_782 = tpu.memref_slice %arg13[%dma_wait3A_779, %dma_wait3A_780, %dma_wait3A_781] : memref<7x128x128xf32, #tpu.memory_space<vmem>> -> memref<1x128x128xf32, #tpu.memory_space<vmem>>
    %dma_wait3A_783 = tpu.memref_squeeze %dma_wait3A_782 : memref<1x128x128xf32, #tpu.memory_space<vmem>> -> memref<128x128xf32, #tpu.memory_space<vmem>>
    %dma_wait3A_784 = arith.constant 256 : i32
    %dma_wait3A_785 = tpu.memref_slice %arg12[%dma_wait3A_778, %dma_wait3A_784] : memref<4x512xi32, #tpu.memory_space<vmem>> -> memref<1x128xi32, #tpu.memory_space<vmem>>
    %dma_wait3A_786 = tpu.memref_squeeze %dma_wait3A_785 : memref<1x128xi32, #tpu.memory_space<vmem>> -> memref<128xi32, #tpu.memory_space<vmem>>
    %dma_wait3A_787 = arith.constant 0 : i32
    %dma_wait3A_788 = arith.constant 0 : i32
    %dma_wait3A_789 = tpu.memref_slice %arg14[%dma_wait3A_787, %dma_wait3A_788] : memref<1000x128xf32, #tpu.memory_space<vmem_shared>> -> memref<1000x128xf32, #tpu.memory_space<vmem_shared>>
    tpu.wait_indirect_dma semaphore(%arg15 : memref<!tpu.dma_semaphore, #tpu.memory_space<semaphore_mem>>) src(%dma_wait3A_789 : memref<1000x128xf32, #tpu.memory_space<vmem_shared>>) dst(%dma_wait3A_783 : memref<128x128xf32, #tpu.memory_space<vmem>>)
    %add3A_790 = arith.constant 256 : i32
    %add3A_791 = arith.addi %mul3A_2, %add3A_790 : i32
    %dma_start3A_792 = arith.constant 0 : i32
    %dma_start3A_793 = arith.constant 0 : i32
    %dma_start3A_794 = arith.constant 0 : i32
    %dma_start3A_795 = tpu.memref_slice %arg13[%dma_start3A_792, %dma_start3A_793, %dma_start3A_794] : memref<7x128x128xf32, #tpu.memory_space<vmem>> -> memref<1x128x128xf32, #tpu.memory_space<vmem>>
    %dma_start3A_796 = tpu.memref_squeeze %dma_start3A_795 : memref<1x128x128xf32, #tpu.memory_space<vmem>> -> memref<128x128xf32, #tpu.memory_space<vmem>>
    %dma_start3A_797 = arith.constant 0 : i32
    %dma_start3A_798 = tpu.memref_slice %arg9[%add3A_791, %dma_start3A_797] : memref<16384x128xf32, #tpu.memory_space<hbm>> -> memref<128x128xf32, #tpu.memory_space<hbm>>
    %dma_start3A_799 = arith.constant 0 : i32
    %dma_start3A_800 = tpu.memref_slice %arg9[%add3A_791, %dma_start3A_799] : memref<16384x128xf32, #tpu.memory_space<hbm>> -> memref<128x128xf32, #tpu.memory_space<hbm>>
    %dma_start3A_801 = arith.constant 0 : i32
    %dma_start3A_802 = arith.constant 0 : i32
    %dma_start3A_803 = tpu.memref_slice %arg13[%dma_start3A_792, %dma_start3A_801, %dma_start3A_802] : memref<7x128x128xf32, #tpu.memory_space<vmem>> -> memref<1x128x128xf32, #tpu.memory_space<vmem>>
    %dma_start3A_804 = tpu.memref_squeeze %dma_start3A_803 : memref<1x128x128xf32, #tpu.memory_space<vmem>> -> memref<128x128xf32, #tpu.memory_space<vmem>>
    tpu.enqueue_dma source(%dma_start3A_804 : memref<128x128xf32, #tpu.memory_space<vmem>>) target(%dma_start3A_800 : memref<128x128xf32, #tpu.memory_space<hbm>>) target_semaphore(%arg22 : memref<!tpu.dma_semaphore, #tpu.memory_space<semaphore_mem>>)
    %dma_wait3A_805 = arith.constant 1 : i32
    %dma_wait3A_806 = arith.constant 1 : i32
    %dma_wait3A_807 = arith.constant 0 : i32
    %dma_wait3A_808 = arith.constant 0 : i32
    %dma_wait3A_809 = tpu.memref_slice %arg13[%dma_wait3A_806, %dma_wait3A_807, %dma_wait3A_808] : memref<7x128x128xf32, #tpu.memory_space<vmem>> -> memref<1x128x128xf32, #tpu.memory_space<vmem>>
    %dma_wait3A_810 = tpu.memref_squeeze %dma_wait3A_809 : memref<1x128x128xf32, #tpu.memory_space<vmem>> -> memref<128x128xf32, #tpu.memory_space<vmem>>
    %dma_wait3A_811 = arith.constant 384 : i32
    %dma_wait3A_812 = tpu.memref_slice %arg12[%dma_wait3A_805, %dma_wait3A_811] : memref<4x512xi32, #tpu.memory_space<vmem>> -> memref<1x128xi32, #tpu.memory_space<vmem>>
    %dma_wait3A_813 = tpu.memref_squeeze %dma_wait3A_812 : memref<1x128xi32, #tpu.memory_space<vmem>> -> memref<128xi32, #tpu.memory_space<vmem>>
    %dma_wait3A_814 = arith.constant 0 : i32
    %dma_wait3A_815 = arith.constant 0 : i32
    %dma_wait3A_816 = tpu.memref_slice %arg14[%dma_wait3A_814, %dma_wait3A_815] : memref<1000x128xf32, #tpu.memory_space<vmem_shared>> -> memref<1000x128xf32, #tpu.memory_space<vmem_shared>>
    tpu.wait_indirect_dma semaphore(%arg16 : memref<!tpu.dma_semaphore, #tpu.memory_space<semaphore_mem>>) src(%dma_wait3A_816 : memref<1000x128xf32, #tpu.memory_space<vmem_shared>>) dst(%dma_wait3A_810 : memref<128x128xf32, #tpu.memory_space<vmem>>)
    %add3A_817 = arith.constant 384 : i32
    %add3A_818 = arith.addi %mul3A_2, %add3A_817 : i32
    %dma_start3A_819 = arith.constant 1 : i32
    %dma_start3A_820 = arith.constant 0 : i32
    %dma_start3A_821 = arith.constant 0 : i32
    %dma_start3A_822 = tpu.memref_slice %arg13[%dma_start3A_819, %dma_start3A_820, %dma_start3A_821] : memref<7x128x128xf32, #tpu.memory_space<vmem>> -> memref<1x128x128xf32, #tpu.memory_space<vmem>>
    %dma_start3A_823 = tpu.memref_squeeze %dma_start3A_822 : memref<1x128x128xf32, #tpu.memory_space<vmem>> -> memref<128x128xf32, #tpu.memory_space<vmem>>
    %dma_start3A_824 = arith.constant 0 : i32
    %dma_start3A_825 = tpu.memref_slice %arg9[%add3A_818, %dma_start3A_824] : memref<16384x128xf32, #tpu.memory_space<hbm>> -> memref<128x128xf32, #tpu.memory_space<hbm>>
    %dma_start3A_826 = arith.constant 0 : i32
    %dma_start3A_827 = tpu.memref_slice %arg9[%add3A_818, %dma_start3A_826] : memref<16384x128xf32, #tpu.memory_space<hbm>> -> memref<128x128xf32, #tpu.memory_space<hbm>>
    %dma_start3A_828 = arith.constant 0 : i32
    %dma_start3A_829 = arith.constant 0 : i32
    %dma_start3A_830 = tpu.memref_slice %arg13[%dma_start3A_819, %dma_start3A_828, %dma_start3A_829] : memref<7x128x128xf32, #tpu.memory_space<vmem>> -> memref<1x128x128xf32, #tpu.memory_space<vmem>>
    %dma_start3A_831 = tpu.memref_squeeze %dma_start3A_830 : memref<1x128x128xf32, #tpu.memory_space<vmem>> -> memref<128x128xf32, #tpu.memory_space<vmem>>
    tpu.enqueue_dma source(%dma_start3A_831 : memref<128x128xf32, #tpu.memory_space<vmem>>) target(%dma_start3A_827 : memref<128x128xf32, #tpu.memory_space<hbm>>) target_semaphore(%arg23 : memref<!tpu.dma_semaphore, #tpu.memory_space<semaphore_mem>>)
    %dma_wait3A_832 = arith.constant 2 : i32
    %dma_wait3A_833 = arith.constant 0 : i32
    %dma_wait3A_834 = arith.constant 0 : i32
    %dma_wait3A_835 = tpu.memref_slice %arg13[%dma_wait3A_832, %dma_wait3A_833, %dma_wait3A_834] : memref<7x128x128xf32, #tpu.memory_space<vmem>> -> memref<1x128x128xf32, #tpu.memory_space<vmem>>
    %dma_wait3A_836 = tpu.memref_squeeze %dma_wait3A_835 : memref<1x128x128xf32, #tpu.memory_space<vmem>> -> memref<128x128xf32, #tpu.memory_space<vmem>>
    %dma_wait3A_837 = arith.constant 0 : i32
    %dma_wait3A_838 = tpu.memref_slice %arg11[%add3A_631, %dma_wait3A_837] : memref<16384x128xf32, #tpu.memory_space<hbm>> -> memref<128x128xf32, #tpu.memory_space<hbm>>
    %dma_wait3A_839 = arith.constant 0 : i32
    %dma_wait3A_840 = tpu.memref_slice %arg11[%add3A_631, %dma_wait3A_839] : memref<16384x128xf32, #tpu.memory_space<hbm>> -> memref<128x128xf32, #tpu.memory_space<hbm>>
    %dma_wait3A_841 = arith.constant 0 : i32
    %dma_wait3A_842 = arith.constant 0 : i32
    %dma_wait3A_843 = tpu.memref_slice %arg13[%dma_wait3A_832, %dma_wait3A_841, %dma_wait3A_842] : memref<7x128x128xf32, #tpu.memory_space<vmem>> -> memref<1x128x128xf32, #tpu.memory_space<vmem>>
    %dma_wait3A_844 = tpu.memref_squeeze %dma_wait3A_843 : memref<1x128x128xf32, #tpu.memory_space<vmem>> -> memref<128x128xf32, #tpu.memory_space<vmem>>
    tpu.wait_dma2 semaphore(%arg24 : memref<!tpu.dma_semaphore, #tpu.memory_space<semaphore_mem>>) src(%dma_wait3A_844 : memref<128x128xf32, #tpu.memory_space<vmem>>) dst(%dma_wait3A_840 : memref<128x128xf32, #tpu.memory_space<hbm>>)
    %dma_wait3A_845 = arith.constant 3 : i32
    %dma_wait3A_846 = arith.constant 0 : i32
    %dma_wait3A_847 = arith.constant 0 : i32
    %dma_wait3A_848 = tpu.memref_slice %arg13[%dma_wait3A_845, %dma_wait3A_846, %dma_wait3A_847] : memref<7x128x128xf32, #tpu.memory_space<vmem>> -> memref<1x128x128xf32, #tpu.memory_space<vmem>>
    %dma_wait3A_849 = tpu.memref_squeeze %dma_wait3A_848 : memref<1x128x128xf32, #tpu.memory_space<vmem>> -> memref<128x128xf32, #tpu.memory_space<vmem>>
    %dma_wait3A_850 = arith.constant 0 : i32
    %dma_wait3A_851 = tpu.memref_slice %arg11[%add3A_683, %dma_wait3A_850] : memref<16384x128xf32, #tpu.memory_space<hbm>> -> memref<128x128xf32, #tpu.memory_space<hbm>>
    %dma_wait3A_852 = arith.constant 0 : i32
    %dma_wait3A_853 = tpu.memref_slice %arg11[%add3A_683, %dma_wait3A_852] : memref<16384x128xf32, #tpu.memory_space<hbm>> -> memref<128x128xf32, #tpu.memory_space<hbm>>
    %dma_wait3A_854 = arith.constant 0 : i32
    %dma_wait3A_855 = arith.constant 0 : i32
    %dma_wait3A_856 = tpu.memref_slice %arg13[%dma_wait3A_845, %dma_wait3A_854, %dma_wait3A_855] : memref<7x128x128xf32, #tpu.memory_space<vmem>> -> memref<1x128x128xf32, #tpu.memory_space<vmem>>
    %dma_wait3A_857 = tpu.memref_squeeze %dma_wait3A_856 : memref<1x128x128xf32, #tpu.memory_space<vmem>> -> memref<128x128xf32, #tpu.memory_space<vmem>>
    tpu.wait_dma2 semaphore(%arg25 : memref<!tpu.dma_semaphore, #tpu.memory_space<semaphore_mem>>) src(%dma_wait3A_857 : memref<128x128xf32, #tpu.memory_space<vmem>>) dst(%dma_wait3A_853 : memref<128x128xf32, #tpu.memory_space<hbm>>)
    %dma_wait3A_858 = arith.constant 4 : i32
    %dma_wait3A_859 = arith.constant 0 : i32
    %dma_wait3A_860 = arith.constant 0 : i32
    %dma_wait3A_861 = tpu.memref_slice %arg13[%dma_wait3A_858, %dma_wait3A_859, %dma_wait3A_860] : memref<7x128x128xf32, #tpu.memory_space<vmem>> -> memref<1x128x128xf32, #tpu.memory_space<vmem>>
    %dma_wait3A_862 = tpu.memref_squeeze %dma_wait3A_861 : memref<1x128x128xf32, #tpu.memory_space<vmem>> -> memref<128x128xf32, #tpu.memory_space<vmem>>
    %dma_wait3A_863 = arith.constant 0 : i32
    %dma_wait3A_864 = tpu.memref_slice %arg11[%add3A_710, %dma_wait3A_863] : memref<16384x128xf32, #tpu.memory_space<hbm>> -> memref<128x128xf32, #tpu.memory_space<hbm>>
    %dma_wait3A_865 = arith.constant 0 : i32
    %dma_wait3A_866 = tpu.memref_slice %arg11[%add3A_710, %dma_wait3A_865] : memref<16384x128xf32, #tpu.memory_space<hbm>> -> memref<128x128xf32, #tpu.memory_space<hbm>>
    %dma_wait3A_867 = arith.constant 0 : i32
    %dma_wait3A_868 = arith.constant 0 : i32
    %dma_wait3A_869 = tpu.memref_slice %arg13[%dma_wait3A_858, %dma_wait3A_867, %dma_wait3A_868] : memref<7x128x128xf32, #tpu.memory_space<vmem>> -> memref<1x128x128xf32, #tpu.memory_space<vmem>>
    %dma_wait3A_870 = tpu.memref_squeeze %dma_wait3A_869 : memref<1x128x128xf32, #tpu.memory_space<vmem>> -> memref<128x128xf32, #tpu.memory_space<vmem>>
    tpu.wait_dma2 semaphore(%arg26 : memref<!tpu.dma_semaphore, #tpu.memory_space<semaphore_mem>>) src(%dma_wait3A_870 : memref<128x128xf32, #tpu.memory_space<vmem>>) dst(%dma_wait3A_866 : memref<128x128xf32, #tpu.memory_space<hbm>>)
    %dma_wait3A_871 = arith.constant 5 : i32
    %dma_wait3A_872 = arith.constant 0 : i32
    %dma_wait3A_873 = arith.constant 0 : i32
    %dma_wait3A_874 = tpu.memref_slice %arg13[%dma_wait3A_871, %dma_wait3A_872, %dma_wait3A_873] : memref<7x128x128xf32, #tpu.memory_space<vmem>> -> memref<1x128x128xf32, #tpu.memory_space<vmem>>
    %dma_wait3A_875 = tpu.memref_squeeze %dma_wait3A_874 : memref<1x128x128xf32, #tpu.memory_space<vmem>> -> memref<128x128xf32, #tpu.memory_space<vmem>>
    %dma_wait3A_876 = arith.constant 0 : i32
    %dma_wait3A_877 = tpu.memref_slice %arg9[%add3A_737, %dma_wait3A_876] : memref<16384x128xf32, #tpu.memory_space<hbm>> -> memref<128x128xf32, #tpu.memory_space<hbm>>
    %dma_wait3A_878 = arith.constant 0 : i32
    %dma_wait3A_879 = tpu.memref_slice %arg9[%add3A_737, %dma_wait3A_878] : memref<16384x128xf32, #tpu.memory_space<hbm>> -> memref<128x128xf32, #tpu.memory_space<hbm>>
    %dma_wait3A_880 = arith.constant 0 : i32
    %dma_wait3A_881 = arith.constant 0 : i32
    %dma_wait3A_882 = tpu.memref_slice %arg13[%dma_wait3A_871, %dma_wait3A_880, %dma_wait3A_881] : memref<7x128x128xf32, #tpu.memory_space<vmem>> -> memref<1x128x128xf32, #tpu.memory_space<vmem>>
    %dma_wait3A_883 = tpu.memref_squeeze %dma_wait3A_882 : memref<1x128x128xf32, #tpu.memory_space<vmem>> -> memref<128x128xf32, #tpu.memory_space<vmem>>
    tpu.wait_dma2 semaphore(%arg27 : memref<!tpu.dma_semaphore, #tpu.memory_space<semaphore_mem>>) src(%dma_wait3A_883 : memref<128x128xf32, #tpu.memory_space<vmem>>) dst(%dma_wait3A_879 : memref<128x128xf32, #tpu.memory_space<hbm>>)
    %dma_wait3A_884 = arith.constant 6 : i32
    %dma_wait3A_885 = arith.constant 0 : i32
    %dma_wait3A_886 = arith.constant 0 : i32
    %dma_wait3A_887 = tpu.memref_slice %arg13[%dma_wait3A_884, %dma_wait3A_885, %dma_wait3A_886] : memref<7x128x128xf32, #tpu.memory_space<vmem>> -> memref<1x128x128xf32, #tpu.memory_space<vmem>>
    %dma_wait3A_888 = tpu.memref_squeeze %dma_wait3A_887 : memref<1x128x128xf32, #tpu.memory_space<vmem>> -> memref<128x128xf32, #tpu.memory_space<vmem>>
    %dma_wait3A_889 = arith.constant 0 : i32
    %dma_wait3A_890 = tpu.memref_slice %arg9[%add3A_764, %dma_wait3A_889] : memref<16384x128xf32, #tpu.memory_space<hbm>> -> memref<128x128xf32, #tpu.memory_space<hbm>>
    %dma_wait3A_891 = arith.constant 0 : i32
    %dma_wait3A_892 = tpu.memref_slice %arg9[%add3A_764, %dma_wait3A_891] : memref<16384x128xf32, #tpu.memory_space<hbm>> -> memref<128x128xf32, #tpu.memory_space<hbm>>
    %dma_wait3A_893 = arith.constant 0 : i32
    %dma_wait3A_894 = arith.constant 0 : i32
    %dma_wait3A_895 = tpu.memref_slice %arg13[%dma_wait3A_884, %dma_wait3A_893, %dma_wait3A_894] : memref<7x128x128xf32, #tpu.memory_space<vmem>> -> memref<1x128x128xf32, #tpu.memory_space<vmem>>
    %dma_wait3A_896 = tpu.memref_squeeze %dma_wait3A_895 : memref<1x128x128xf32, #tpu.memory_space<vmem>> -> memref<128x128xf32, #tpu.memory_space<vmem>>
    tpu.wait_dma2 semaphore(%arg28 : memref<!tpu.dma_semaphore, #tpu.memory_space<semaphore_mem>>) src(%dma_wait3A_896 : memref<128x128xf32, #tpu.memory_space<vmem>>) dst(%dma_wait3A_892 : memref<128x128xf32, #tpu.memory_space<hbm>>)
    %dma_wait3A_897 = arith.constant 0 : i32
    %dma_wait3A_898 = arith.constant 0 : i32
    %dma_wait3A_899 = arith.constant 0 : i32
    %dma_wait3A_900 = tpu.memref_slice %arg13[%dma_wait3A_897, %dma_wait3A_898, %dma_wait3A_899] : memref<7x128x128xf32, #tpu.memory_space<vmem>> -> memref<1x128x128xf32, #tpu.memory_space<vmem>>
    %dma_wait3A_901 = tpu.memref_squeeze %dma_wait3A_900 : memref<1x128x128xf32, #tpu.memory_space<vmem>> -> memref<128x128xf32, #tpu.memory_space<vmem>>
    %dma_wait3A_902 = arith.constant 0 : i32
    %dma_wait3A_903 = tpu.memref_slice %arg9[%add3A_791, %dma_wait3A_902] : memref<16384x128xf32, #tpu.memory_space<hbm>> -> memref<128x128xf32, #tpu.memory_space<hbm>>
    %dma_wait3A_904 = arith.constant 0 : i32
    %dma_wait3A_905 = tpu.memref_slice %arg9[%add3A_791, %dma_wait3A_904] : memref<16384x128xf32, #tpu.memory_space<hbm>> -> memref<128x128xf32, #tpu.memory_space<hbm>>
    %dma_wait3A_906 = arith.constant 0 : i32
    %dma_wait3A_907 = arith.constant 0 : i32
    %dma_wait3A_908 = tpu.memref_slice %arg13[%dma_wait3A_897, %dma_wait3A_906, %dma_wait3A_907] : memref<7x128x128xf32, #tpu.memory_space<vmem>> -> memref<1x128x128xf32, #tpu.memory_space<vmem>>
    %dma_wait3A_909 = tpu.memref_squeeze %dma_wait3A_908 : memref<1x128x128xf32, #tpu.memory_space<vmem>> -> memref<128x128xf32, #tpu.memory_space<vmem>>
    tpu.wait_dma2 semaphore(%arg22 : memref<!tpu.dma_semaphore, #tpu.memory_space<semaphore_mem>>) src(%dma_wait3A_909 : memref<128x128xf32, #tpu.memory_space<vmem>>) dst(%dma_wait3A_905 : memref<128x128xf32, #tpu.memory_space<hbm>>)
    %dma_wait3A_910 = arith.constant 1 : i32
    %dma_wait3A_911 = arith.constant 0 : i32
    %dma_wait3A_912 = arith.constant 0 : i32
    %dma_wait3A_913 = tpu.memref_slice %arg13[%dma_wait3A_910, %dma_wait3A_911, %dma_wait3A_912] : memref<7x128x128xf32, #tpu.memory_space<vmem>> -> memref<1x128x128xf32, #tpu.memory_space<vmem>>
    %dma_wait3A_914 = tpu.memref_squeeze %dma_wait3A_913 : memref<1x128x128xf32, #tpu.memory_space<vmem>> -> memref<128x128xf32, #tpu.memory_space<vmem>>
    %dma_wait3A_915 = arith.constant 0 : i32
    %dma_wait3A_916 = tpu.memref_slice %arg9[%add3A_818, %dma_wait3A_915] : memref<16384x128xf32, #tpu.memory_space<hbm>> -> memref<128x128xf32, #tpu.memory_space<hbm>>
    %dma_wait3A_917 = arith.constant 0 : i32
    %dma_wait3A_918 = tpu.memref_slice %arg9[%add3A_818, %dma_wait3A_917] : memref<16384x128xf32, #tpu.memory_space<hbm>> -> memref<128x128xf32, #tpu.memory_space<hbm>>
    %dma_wait3A_919 = arith.constant 0 : i32
    %dma_wait3A_920 = arith.constant 0 : i32
    %dma_wait3A_921 = tpu.memref_slice %arg13[%dma_wait3A_910, %dma_wait3A_919, %dma_wait3A_920] : memref<7x128x128xf32, #tpu.memory_space<vmem>> -> memref<1x128x128xf32, #tpu.memory_space<vmem>>
    %dma_wait3A_922 = tpu.memref_squeeze %dma_wait3A_921 : memref<1x128x128xf32, #tpu.memory_space<vmem>> -> memref<128x128xf32, #tpu.memory_space<vmem>>
    tpu.wait_dma2 semaphore(%arg23 : memref<!tpu.dma_semaphore, #tpu.memory_space<semaphore_mem>>) src(%dma_wait3A_922 : memref<128x128xf32, #tpu.memory_space<vmem>>) dst(%dma_wait3A_918 : memref<128x128xf32, #tpu.memory_space<hbm>>)
    return
  }
}

</mosaic_0001>

<sc_bundles>
// kernel: kernel.3.cloned.1.call-start
scs
__scs_entry_jumppad:
0x0: {  	(pc) =	sbr.rel $0x88, $3  }
0x1: {  	(tag) =	ssettag $0x0;
	lr =	simm.s32 $0x1  }
0x2: {  	[smem:$0x3F9B] =	sst lr;
	_ =	strace $0xD0000000  }
0x3: {  	_ = 	snop  }
0x4: {  	_ = 	snop  }
0x5: {  	_ = 	snop  }
0x6: {  	_ = 	snop  }
0x7: {  	_ = 	snop  }
__scs_overlays_trampoline_lowered:
0x8: {  	[smem:$0x3FAA] =	sst s0  }
0x9: {  	[smem:$0x3FAB] =	sst s1  }
0xa: {  	[smem:$0x3FAC] =	sst s2  }
0xb: {  	[smem:$0x3FAD] =	sst s3  }
0xc: {  	[smem:$0x3FAE] =	sst s4  }
0xd: {  	[smem:$0x3FAF] =	sst s5  }
0xe: {  	[smem:$0x3FB0] =	sst s6  }
0xf: {  	[smem:$0x3FB1] =	sst s7  }
0x10: {  	[smem:$0x3FB2] =	sst s8  }
0x11: {  	[smem:$0x3FB3] =	sst s9;
	s0 =	simm.s32 @!p0 $0x0  }
0x12: {  	s1 =	sld [smem:$0x3F99];
	s0 =	simm.s32 @p0 $0x1  }
0x13: {  	[smem:$0x3FB4] =	sst s0;
	s0 =	simm.s32 @!p1 $0x0  }
0x14: {  	s2 =	sld [smem:$0x3F98];
	s0 =	simm.s32 @p1 $0x1  }
0x15: {  	[smem:$0x3FB5] =	sst s0;
	s0 =	simm.s32 @!p2 $0x0  }
0x16: {  	s3 =	sld [smem:$0x3FDB];
	s0 =	simm.s32 @p2 $0x1  }
0x17: {  	s4 =	simm.s32 $0x1BF5;
	[smem:$0x3FB7] =	sst s0  }
0x18: {  	s0 =	sld [smem:$0x3F9A];
	_ =	swait.ge [sflag:s4], $0x0  }
0x19: {  	s7 =	sld [smem:$0x3F9B]  }
0x1a: {  	s8 =	sadd.s32 $0xFFFFE003, lr  }
0x1b: {  	s9 =	sadd.s32 $0xFFFFFEF7, lr;
	s5 =	simm.s32 $0xFFFFFFFF;
	p2 =	slt.u32 s8, $0xFFFFF086  }
0x1c: {  	p1 =	slt.u32 s9, $0xF7A;
	s5 =	simm.s32 @!p2 $0x0  }
0x1d: {  	s5 =	simm.s32 @p1 $0x1;
	p0 =	seq.s32 s7, s2  }
0x1e: {  	s7 =	smul.u32 @!p0 $0xF7A, s2;
	p2 =	seq.s32 @!p0 s5, $0x0  }
0x1f: {  	s9 =	smul.u32 $0xF7A, s1;
	s8 =	simm.s32 @!p0 $0x1BF5;
	p2 =	por !p2, p0  }
0x20: {  	[sflag:s8] =	ssyncset.s32 @!p0 $0xFFFFF086;
	s6 =	sadd.s32 @!p0 s3, s7;
	s7 =	simm.s32 @!p0 $0x108  }
0x21: {  	s3 =	sadd.s32 s3, s9;
	s6 =	sadd.s32 @!p0 $0x88, s6;
	s7 =	simm.s32 @p2 $0x1082  }
0x22: {  	[simem:s7], [sflag:s8] =	dma.local @!p0 [hbm:s6], $0xF7A  }
0x23: {  	s9 =	sor.u32 $0xD0000000, s2;
	s6 =	simm.s32 $0x108;
	_ =	swait.ge @!p0 [sflag:s8], $0x0  }
0x24: {  	s3 =	sadd.s32 $0x88, s3;
	s6 =	simm.s32 @!p1 $0x1082;
	[sflag:s4] =	ssyncset.s32 $0xFFFFF086  }
0x25: {  	[simem:s6], [sflag:s4] =	dma.local [hbm:s3], $0xF7A  }
0x26: {  	[smem:$0x3F9B] =	sst s1;
	(tag) =	ssettag s2;
	_ =	strace s9  }
0x27: {  	s1 =	sld [smem:$0x3FAB]  }
0x28: {  	s2 =	sld [smem:$0x3FAC]  }
0x29: {  	s4 =	sld [smem:$0x3FAE]  }
0x2a: {  	p0 =	seq.s32 s5, $0x0;
	s5 =	sld [smem:$0x3FAF]  }
0x2b: {  	s6 =	sld [smem:$0x3FB0]  }
0x2c: {  	s7 =	sld [smem:$0x3FB1]  }
0x2d: {  	s3 =	simm.s32 $0x108;
	s8 =	sld [smem:$0x3FB2]  }
0x2e: {  	s3 =	simm.s32 @!p0 $0x1082;
	s9 =	sld [smem:$0x3FB3]  }
0x2f: {  	lr =	sadd.s32 s0, s3;
	s0 =	sld [smem:$0x3FAA]  }
0x30: {  	s3 =	sld [smem:$0x3FAD]  }
0x31: {  	[smem:$0x3FB6] =	sst s10  }
0x32: {  	s10 =	sld [smem:$0x3FB4];
	_ =	sdelay $0x3  }
0x33: {  	p0 =	seq.s32 s10, $0x1;
	s10 =	sld [smem:$0x3FB6];
	_ =	sdelay $0x3  }
0x34: {  	[smem:$0x3FB6] =	sst s10  }
0x35: {  	s10 =	sld [smem:$0x3FB5];
	_ =	sdelay $0x3  }
0x36: {  	p1 =	seq.s32 s10, $0x1;
	s10 =	sld [smem:$0x3FB6];
	_ =	sdelay $0x3  }
0x37: {  	[smem:$0x3FB6] =	sst s10  }
0x38: {  	s10 =	sld [smem:$0x3FB7]  }
0x39: {  	_ = 	snop;
	(pc) =	sbr.ind lr, $3  }
0x3a: {  	_ = 	snop  }
0x3b: {  	_ = 	snop  }
0x3c: {  	p2 =	seq.s32 s10, $0x1;
	s10 =	sld [smem:$0x3FB6]  }
0x3d: {  	_ =	shalt  }
0x3e: {  	_ =	shalt  }
0x3f: {  	_ =	shalt  }
0x40: {  	_ =	shalt  }
0x41: {  	_ =	shalt  }
0x42: {  	_ =	shalt  }
0x43: {  	_ =	shalt  }
0x44: {  	_ =	shalt  }
0x45: {  	_ =	shalt  }
0x46: {  	_ =	shalt  }
0x47: {  	_ =	shalt  }
0x48: {  	_ =	shalt  }
0x49: {  	_ =	shalt  }
0x4a: {  	_ =	shalt  }
0x4b: {  	_ =	shalt  }
0x4c: {  	_ =	shalt  }
0x4d: {  	_ =	shalt  }
0x4e: {  	_ =	shalt  }
0x4f: {  	_ =	shalt  }
0x50: {  	_ =	shalt  }
0x51: {  	_ =	shalt  }
0x52: {  	_ =	shalt  }
0x53: {  	_ =	shalt  }
0x54: {  	_ =	shalt  }
0x55: {  	_ =	shalt  }
0x56: {  	_ =	shalt  }
0x57: {  	_ =	shalt  }
0x58: {  	_ =	shalt  }
0x59: {  	_ =	shalt  }
0x5a: {  	_ =	shalt  }
0x5b: {  	_ =	shalt  }
0x5c: {  	_ =	shalt  }
0x5d: {  	_ =	shalt  }
0x5e: {  	_ =	shalt  }
0x5f: {  	_ =	shalt  }
0x60: {  	_ =	shalt  }
0x61: {  	_ =	shalt  }
0x62: {  	_ =	shalt  }
0x63: {  	_ =	shalt  }
0x64: {  	_ =	shalt  }
0x65: {  	_ =	shalt  }
0x66: {  	_ =	shalt  }
0x67: {  	_ =	shalt  }
0x68: {  	_ =	shalt  }
0x69: {  	_ =	shalt  }
0x6a: {  	_ =	shalt  }
0x6b: {  	_ =	shalt  }
0x6c: {  	_ =	shalt  }
0x6d: {  	_ =	shalt  }
0x6e: {  	_ =	shalt  }
0x6f: {  	_ =	shalt  }
0x70: {  	_ =	shalt  }
0x71: {  	_ =	shalt  }
0x72: {  	_ =	shalt  }
0x73: {  	_ =	shalt  }
0x74: {  	_ =	shalt  }
0x75: {  	_ =	shalt  }
0x76: {  	_ =	shalt  }
0x77: {  	_ =	shalt  }
0x78: {  	_ =	shalt  }
0x79: {  	_ =	shalt  }
0x7a: {  	_ =	shalt  }
0x7b: {  	_ =	shalt  }
0x7c: {  	_ =	shalt  }
0x7d: {  	_ =	shalt  }
0x7e: {  	_ =	shalt  }
0x7f: {  	_ =	shalt  }
0x80: {  	_ =	shalt  }
0x81: {  	_ =	shalt  }
0x82: {  	_ =	shalt  }
0x83: {  	_ =	shalt  }
0x84: {  	_ =	shalt  }
0x85: {  	_ =	shalt  }
0x86: {  	_ =	shalt  }
0x87: {  	_ =	shalt  }
.Lfunc_end0:
.L_simem_size_0:
called_computation_lowered:
.L_overlay_start_0:
0x88: {  	s2 =	sld [smem:$0x3FD9]  }
0x89: {  	s3 =	sld [smem:$0x3FFE];
	_ =	sdelay $0x1  }
0x8a: {  	s1 =	srdreg.scid  }
0x8b: {  	s0 =	sand.u32 $0x1, s1  }
0x8c: {  	s30 =	sshll.u32 s0, $0xA;
	s2 =	sadd.s32 s3, s2  }
0x8d: {  	s2 =	sadd.s32 s2, s30  }
0x8e: {  	[smem:$0x3FC2] =	sst s2  }
0x8f: {  	_ = 	snop  }
0x90: {  	s2 =	sld [smem:$0x3FC9]  }
0x91: {  	s31 =	sld [smem:$0x3FC8]  }
0x92: {  	s4 =	sld [smem:$0x3FC7]  }
0x93: {  	s5 =	sld [smem:$0x3FD0]  }
0x94: {  	s6 =	sld [smem:$0x3FC6]  }
0x95: {  	s7 =	sld [smem:$0x3FC5]  }
0x96: {  	s9 =	simm.s32 $0xA;
	s10 =	simm.s32 $0x10;
	s8 =	sld [smem:$0x3FC4]  }
0x97: {  	[smem:s10], [sflag:s9] =	dma.local [hbm:s5], $0x1  }
0x98: {  	_ =	swait.eq [sflag:s9], $0x1  }
0x99: {  	s17 =	sld [smem:$0x10]  }
0x9a: {  	s18 =	sld [smem:$0x11];
	[sflag:s9] =	ssyncset.done $0x0  }
0x9b: {  	s11 =	sld [smem:$0x12];
	[sflag:s9] =	ssyncadd.s32 $0xFFFFFFFF  }
0x9c: {  	s19 =	sld [smem:$0x13];
	(tm) =	ssettm $0x1  }
0x9d: {  	s12 =	sld [smem:$0x3FFB];
	_ =	sdelay $0x3  }
0x9e: {  	_ =	strace s12  }
0x9f: {  	s12 =	sld [smem:$0x3FFC];
	_ =	sdelay $0x3  }
0xa0: {  	_ =	strace s12  }
0xa1: {  	s12 =	sld [smem:$0x3FFD];
	_ =	sdelay $0x3  }
0xa2: {  	_ =	strace s12  }
0xa3: {  	_ =	strace $0x8FFFFFFF  }
0xa4: {  	s20 =	sld [smem:$0x3FDB];
	_ =	sdelay $0x1  }
0xa5: {  	s13 =	simm.s32 $_scs_section_size  }
0xa6: {  	s14 =	simm.s32 $_size__tile_overlayer_lowered;
	s15 =	simm.s32 $_tile_overlayer_lowered  }
0xa7: {  	s23 =	simm.s32 $0x1BFF;
	s22 =	sshll.u32 s15, $0x1;
	s12 =	sadd.s32 s13, s20  }
0xa8: {  	s16 =	simm.s32 $0x0;
	s21 =	sshll.u32 s14, $0x1;
	s14 =	sadd.s32 s22, s12  }
0xa9: {  	[timem:s16], [sflag:s23] =	dma.local [hbm:s14], s21  }
0xaa: {  	_ =	swait.ge [sflag:s23], s21  }
0xab: {  	s13 =	ssub.s32 $0x0, s21;
	[sflag:s23] =	ssyncset.done $0x0  }
0xac: {  	[sflag:s23] =	ssyncadd.s32 s13;
	_ =	sdelay $0x1  }
0xad: {  	s24 =	simm.s32 $0x1B8B  }
0xae: {  	_ =	swait.ge [sflag:s24], $0x1  }
0xaf: {  	[sflag:s24] =	ssyncset.done $0x0  }
0xb0: {  	s25 =	simm.s32 $0x1B8E;
	[sflag:s24] =	ssyncadd.s32 $0xFFFFFFFF  }
0xb1: {  	s26 =	simm.s32 $execute0_lowered;
	[smem:$0x3FD2] =	sst s25  }
0xb2: {  	s13 =	sshll.u32 s26, $0x1;
	_ =	strace $0x80000046;
	[dreg:$0x1] =	wrdreg $0xFFFFFFFF  }
0xb3: {  	s28 =	simm.s32 $_size_execute0_lowered;
	s12 =	sadd.s32 s12, s13;
	[dreg:$0x0] =	wrdreg $0x0  }
0xb4: {  	s13 =	sshll.u32 s28, $0x1;
	[dreg:$0x2] =	wrdreg s12  }
0xb5: {  	[dreg:$0x3] =	wrdreg s13  }
0xb6: {  	[dreg:$0x4] =	wrdreg $0xC0  }
0xb7: {  	_ =	task [dreg:s16], $0x5FFFF  }
0xb8: {  	[dreg:$0x1] =	wrdreg $0xFFFFFFFF  }
0xb9: {  	[dreg:$0x0] =	wrdreg $0x60  }
0xba: {  	[dreg:$0x2] =	wrdreg s2  }
0xbb: {  	[dreg:$0x3] =	wrdreg s4  }
0xbc: {  	[dreg:$0x4] =	wrdreg s31  }
0xbd: {  	[dreg:$0x5] =	wrdreg s6  }
0xbe: {  	[dreg:$0x6] =	wrdreg s7  }
0xbf: {  	[dreg:$0x7] =	wrdreg s8  }
0xc0: {  	[dreg:$0x8] =	wrdreg s17  }
0xc1: {  	[dreg:$0x9] =	wrdreg s18  }
0xc2: {  	[dreg:$0xa] =	wrdreg s11  }
0xc3: {  	[dreg:$0xb] =	wrdreg s19  }
0xc4: {  	[dreg:$0xc] =	wrdreg $0x1C8000  }
0xc5: {  	[dreg:$0xd] =	wrdreg $0x9  }
0xc6: {  	_ =	task.clear_ibuf [dreg:s16], $0xEFFFF;
	_ =	strace $0x90000046  }
0xc7: {  	s29 =	simm.s32 $0x9;
	_ =	strace $0x80000048  }
0xc8: {  	_ =	swait.ge [sflag:s29], $0x1  }
0xc9: {  	[sflag:s29] =	ssyncadd.s32 $0xFFFFFFFF  }
0xca: {  	_ =	strace $0x90000048  }
0xcb: {  	_ =	sfence  }
0xcc: {  	s30 =	sld [smem:$0x0];
	_ =	sdelay $0x2  }
0xcd: {  	s31 =	sshll.u32 s1, $0xD;
	s1 =	sshrl.u32 s1, $0x2  }
0xce: {  	s3 =	sand.u32 $0x4000, s31;
	s1 =	sadd.s32 s1, s30  }
0xcf: {  	s0 =	sor.u32 s3, s0;
	s1 =	sshll.u32 s1, $0x11  }
0xd0: {  	s0 =	sor.u32 s1, s0  }
0xd1: {  	s0 =	sadd.s32 $0x8F2B, s0  }
0xd2: {  	[sflag:s0] =	ssyncadd.remote.s32 $0x1  }
0xd3: {  	_ =	sfence.sel $0xFFFF  }
0xd4: {  	[dreg:$0x0] =	wrdreg $0xFFFFFFFF;
	(pc) =	sbr.abs _section_cstart, $3  }
0xd5: {  	[dreg:$0x1] =	wrdreg $0xFFFFFFFF  }
0xd6: {  	_ =	task.clear_ibuf [dreg:s16], $0x2FFFF;
	_ =	strace $0x9FFFFFFF  }
0xd7: {  	(tm) =	ssettm $0x7FFFFFFF  }
tec
execute0_lowered:
.L_overlay_start_1:
0x0: {  	(tag) =	ssettag $0x1  }
0x1: {  	s6 =	rddreg [dreg:$0x0]  }
0x2: {  	s5 =	rddreg [dreg:$0x1]  }
0x3: {  	s2 =	rddreg [dreg:$0x2]  }
0x4: {  	s0 =	rddreg [dreg:$0x3]  }
0x5: {  	s1 =	rddreg [dreg:$0x4]  }
0x6: {  	s8 =	rddreg [dreg:$0x5]  }
0x7: {  	s9 =	rddreg [dreg:$0x6]  }
0x8: {  	s10 =	rddreg [dreg:$0x7]  }
0x9: {  	s11 =	rddreg [dreg:$0x8]  }
0xa: {  	s12 =	rddreg [dreg:$0x9]  }
0xb: {  	s19 =	rddreg [dreg:$0xa]  }
0xc: {  	s4 =	simm.s32 $0x0;
	s7 =	srdreg.scid;
	s18 =	stileid.u32  }
0xd: {  	[smem:$0x7FF] =	sst s4;
	s3 =	sand.u32 $0x1, s7;
	s13 =	sshll.u32 s18, $0xA  }
0xe: {  	s22 =	sadd.s32 $0x3800, s8;
	s15 =	sshll.u32 s18, $0xB;
	s14 =	sshll.u32 s3, $0x9  }
0xf: {  	[smem:$0x7FD] =	sst s3;
	s8 =	sadd.s32 s8, s15;
	s13 =	sor.u32 s14, s13  }
0x10: {  	_ =	strace $0x80000047;
	[dreg:$0xc] =	wrdreg s22;
	s23 =	sshll.u32 s13, $0x4  }
0x11: {  	[dreg:$0xd] =	wrdreg s8;
	s24 =	sadd.s32 s9, s23  }
0x12: {  	s25 =	sor.u32 $0x800, s23;
	s31 =	sadd.s32 s11, s23;
	[dreg:$0xe] =	wrdreg s24  }
0x13: {  	s16 =	sor.u32 $0x1000, s23;
	s26 =	sadd.s32 s9, s25;
	[dreg:$0x12] =	wrdreg s31  }
0x14: {  	s17 =	sor.u32 $0x1800, s23;
	s28 =	sadd.s32 s9, s16;
	[dreg:$0xf] =	wrdreg s26  }
0x15: {  	s29 =	sadd.s32 s9, s17;
	[dreg:$0x10] =	wrdreg s28  }
0x16: {  	s3 =	sadd.s32 s11, s25;
	[dreg:$0x11] =	wrdreg s29  }
0x17: {  	s7 =	sadd.s32 s11, s16;
	[dreg:$0x13] =	wrdreg s3  }
0x18: {  	s9 =	sadd.s32 s11, s17;
	[dreg:$0x14] =	wrdreg s7  }
0x19: {  	s11 =	sadd.s32 s12, s23;
	[dreg:$0x15] =	wrdreg s9  }
0x1a: {  	s20 =	sadd.s32 s12, s25;
	[dreg:$0x16] =	wrdreg s11  }
0x1b: {  	s21 =	sadd.s32 s12, s16;
	[dreg:$0x17] =	wrdreg s20  }
0x1c: {  	s22 =	sadd.s32 s12, s17;
	[dreg:$0x18] =	wrdreg s21  }
0x1d: {  	s23 =	sadd.s32 s10, s23;
	[dreg:$0x19] =	wrdreg s22  }
0x1e: {  	p0 =	sgt.u32 s18, $0x6;
	s24 =	sadd.s32 s10, s25;
	[dreg:$0x1a] =	wrdreg s23  }
0x1f: {  	p2 =	sne.s32 @p0 s18, $0x7;
	s25 =	sadd.s32 s10, s16;
	[dreg:$0x1b] =	wrdreg s24  }
0x20: {  	p1 =	por p2, !p0;
	[dreg:$0x1c] =	wrdreg s25  }
0x21: {  	s10 =	sadd.s32 s10, s17;
	s9 =	sadd.s32 $0x1C000, s19;
	s11 =	rddreg [dreg:$0xc]  }
0x22: {  	s26 =	sshll.u32 s18, $0xE;
	[dreg:$0x1d] =	wrdreg s10;
	s8 =	sshrl.u32 @!p1 s9, $0x3  }
0x23: {  	[dreg:$0x1e] =	wrdreg s8;
	s8 =	sadd.s32 s26, s19  }
0x24: {  	s9 =	rddreg [dreg:$0x1e];
	s8 =	sshrl.u32 @!p0 s8, $0x3  }
0x25: {  	s7 =	simm.s32 @!p1 $0x1DCF;
	[dreg:$0x1f] =	wrdreg s8  }
0x26: {  	[spmem:s9], [sflag:s7] =	dma.local @!p1 [hbm:s11], $0x680  }
0x27: {  	s28 =	sshrl.u32 s13, $0x3;
	s11 =	sshll.u32 @!p0 s18, $0x6;
	s8 =	rddreg [dreg:$0xd]  }
0x28: {  	s6 =	sadd.s32 s6, s28;
	s9 =	rddreg [dreg:$0x1f];
	s7 =	sor.u32 @!p0 $0x1C0F, s11  }
0x29: {  	s13 =	sadd.s32 $0x10, s6;
	[smem:$0x7EC] =	sst s7  }
0x2a: {  	[spmem:s9], [sflag:s7] =	dma.local @!p0 [hbm:s8], $0x800  }
0x2b: {  	s15 =	sadd.s32 $0x20, s6;
	[smem:$0x7ED] =	sst s13  }
0x2c: {  	[tilespmem:s4], [sflag:$0x7] =	stream.linear.gather [hbm4b:s6+s4], $0x80, $0x38;
	[tilespmem:$0x1E740] =	vst v63  }
0x2d: {  	s14 =	simm.s32 $0x400;
	s29 =	simm.s32 $0x200;
	[smem:$0x7EE] =	sst s15  }
0x2e: {  	[tilespmem:s29], [sflag:$0x7] =	stream.linear.gather [hbm4b:s13+s4], $0x80, $0x38;
	[tilespmem:$0x1E740] =	vst v63  }
0x2f: {  	s17 =	sadd.s32 $0x30, s6;
	s18 =	sadd.s32 s5, s28;
	[smem:$0x7EF] =	sst s6  }
0x30: {  	[tilespmem:s14], [sflag:$0x7] =	stream.linear.gather [hbm4b:s15+s4], $0x80, $0x38;
	[tilespmem:$0x1E740] =	vst v63  }
0x31: {  	s16 =	simm.s32 $0x600;
	s5 =	sadd.s32 $0x10, s18;
	[smem:$0x7F0] =	sst s17  }
0x32: {  	[tilespmem:s16], [sflag:$0x7] =	stream.linear.gather [hbm4b:s17+s4], $0x80, $0x38;
	[tilespmem:$0x1E740] =	vst v63  }
0x33: {  	s19 =	sadd.s32 $0x20, s18;
	[smem:$0x7F1] =	sst s5;
	s15 =	simm.s32 $0x80  }
0x34: {  	[tilespmem:s15], [sflag:$0x9] =	stream.linear.gather [hbm4b:s18+s4], $0x80, $0x38;
	[tilespmem:$0x1E740] =	vst v63  }
0x35: {  	s31 =	simm.s32 $0x480;
	[smem:$0x7F2] =	sst s19;
	s6 =	simm.s32 $0x280  }
0x36: {  	[tilespmem:s6], [sflag:$0x9] =	stream.linear.gather [hbm4b:s5+s4], $0x80, $0x38;
	[tilespmem:$0x1E740] =	vst v63  }
0x37: {  	s2 =	sadd.s32 s2, s28;
	s3 =	sadd.s32 $0x30, s18;
	[smem:$0x7F3] =	sst s18  }
0x38: {  	[tilespmem:s31], [sflag:$0x9] =	stream.linear.gather [hbm4b:s19+s4], $0x80, $0x38;
	[tilespmem:$0x1E740] =	vst v63  }
0x39: {  	s24 =	sadd.s32 $0x10, s2;
	[smem:$0x7F4] =	sst s3;
	s13 =	simm.s32 $0x680  }
0x3a: {  	[tilespmem:s13], [sflag:$0x9] =	stream.linear.gather [hbm4b:s3+s4], $0x80, $0x38;
	[tilespmem:$0x1E740] =	vst v63  }
0x3b: {  	s20 =	simm.s32 $0x100;
	s26 =	sadd.s32 $0x20, s2;
	[smem:$0x7F5] =	sst s24  }
0x3c: {  	[tilespmem:s20], [sflag:$0xA] =	stream.linear.gather [hbm4b:s2+s4], $0x80, $0x38;
	[tilespmem:$0x1E740] =	vst v63  }
0x3d: {  	s23 =	simm.s32 $0x300;
	s0 =	sadd.s32 s0, s28;
	[smem:$0x7F6] =	sst s26  }
0x3e: {  	[tilespmem:s23], [sflag:$0xA] =	stream.linear.gather [hbm4b:s24+s4], $0x80, $0x38;
	[tilespmem:$0x1E740] =	vst v63  }
0x3f: {  	s25 =	simm.s32 $0x500;
	s10 =	sadd.s32 $0x10, s0;
	[smem:$0x7F7] =	sst s2  }
0x40: {  	[tilespmem:s25], [sflag:$0xA] =	stream.linear.gather [hbm4b:s26+s4], $0x80, $0x38;
	[tilespmem:$0x1E740] =	vst v63  }
0x41: {  	[smem:$0x7F9] =	sst s10;
	s19 =	simm.s32 $0x700;
	s2 =	sadd.s32 $0x30, s2  }
0x42: {  	[tilespmem:s19], [sflag:$0xA] =	stream.linear.gather [hbm4b:s2+s4], $0x80, $0x38;
	[tilespmem:$0x1E740] =	vst v63  }
0x43: {  	s28 =	sadd.s32 $0x20, s0;
	[smem:$0x7F8] =	sst s2;
	s2 =	simm.s32 $0x180  }
0x44: {  	[tilespmem:s2], [sflag:$0xB] =	stream.linear.gather [hbm4b:s0+s4], $0x80, $0x38;
	[tilespmem:$0x1E740] =	vst v63  }
0x45: {  	s11 =	simm.s32 $0x380;
	[smem:$0x7FA] =	sst s28  }
0x46: {  	[tilespmem:s11], [sflag:$0xB] =	stream.linear.gather [hbm4b:s10+s4], $0x80, $0x38;
	[tilespmem:$0x1E740] =	vst v63  }
0x47: {  	s12 =	simm.s32 $0x580;
	[smem:$0x7FB] =	sst s0;
	s0 =	sadd.s32 $0x30, s0  }
0x48: {  	[tilespmem:s12], [sflag:$0xB] =	stream.linear.gather [hbm4b:s28+s4], $0x80, $0x38;
	[tilespmem:$0x1E740] =	vst v63  }
0x49: {  	s21 =	simm.s32 $0x780;
	[smem:$0x7FC] =	sst s0;
	s10 =	simm.s32 $0x7  }
0x4a: {  	[tilespmem:s21], [sflag:$0xB] =	stream.linear.gather [hbm4b:s0+s4], $0x80, $0x38;
	[tilespmem:$0x1E740] =	vst v63  }
0x4b: {  	_ =	swait.ge [sflag:s10], $0x200  }
0x4c: {  	[sflag:s10] =	ssyncset.done $0x0  }
0x4d: {  	s22 =	simm.s32 $0x800;
	[sflag:s10] =	ssyncadd.s32 $0xFFFFFE00  }
0x4e: {  	[tilespmem:s22], [sflag:$0x1] =	stream.indirect.gather [hbm4b:s1+s15], $0x80, s4, s15, $0xb8;
	[tilespmem:$0x1E740] =	vst v63  }
0x4f: {  	s24 =	simm.s32 $0x4800  }
0x50: {  	[tilespmem:s24], [sflag:$0x2] =	stream.indirect.gather [hbm4b:s1+s15], $0x80, s29, s15, $0xb8;
	[tilespmem:$0x1E740] =	vst v63  }
0x51: {  	s26 =	simm.s32 $0x8800  }
0x52: {  	[tilespmem:s26], [sflag:$0x3] =	stream.indirect.gather [hbm4b:s1+s15], $0x80, s14, s15, $0xb8;
	[tilespmem:$0x1E740] =	vst v63  }
0x53: {  	s8 =	simm.s32 $0xC800;
	s14 =	simm.s32 $0x9  }
0x54: {  	[tilespmem:s8], [sflag:$0x4] =	stream.indirect.gather [hbm4b:s1+s15], $0x80, s16, s15, $0xb8;
	[tilespmem:$0x1E740] =	vst v63  }
0x55: {  	_ =	swait.ge [sflag:s14], $0x200  }
0x56: {  	[sflag:s14] =	ssyncset.done $0x0  }
0x57: {  	s17 =	simm.s32 $0xA;
	[sflag:s14] =	ssyncadd.s32 $0xFFFFFE00  }
0x58: {  	_ =	swait.ge [sflag:s17], $0x200  }
0x59: {  	[sflag:s17] =	ssyncset.done $0x0  }
0x5a: {  	s18 =	simm.s32 $0xB;
	[sflag:s17] =	ssyncadd.s32 $0xFFFFFE00  }
0x5b: {  	_ =	swait.ge [sflag:s18], $0x200  }
0x5c: {  	[sflag:s18] =	ssyncset.done $0x0  }
0x5d: {  	s9 =	simm.s32 $0x10800;
	[sflag:s18] =	ssyncadd.s32 $0xFFFFFE00  }
0x5e: {  	[tilespmem:s9], [sflag:$0x5] =	stream.indirect.gather [hbm4b:s1+s15], $0x80, s20, s15, $0xb8;
	[tilespmem:$0x1E740] =	vst v63  }
0x5f: {  	s20 =	simm.s32 $0x1  }
0x60: {  	_ =	swait.ge [sflag:s20], $0x4000  }
0x61: {  	[sflag:s20] =	ssyncset.done $0x0  }
0x62: {  	s3 =	simm.s32 $0x14800;
	[sflag:s20] =	ssyncadd.s32 $0xFFFFC000  }
0x63: {  	[tilespmem:s3], [sflag:$0x6] =	stream.indirect.gather [hbm4b:s1+s15], $0x80, s23, s15, $0xb8;
	[tilespmem:$0x1E740] =	vst v63  }
0x64: {  	s29 =	rddreg [dreg:$0xe];
	s23 =	simm.s32 $0x2  }
0x65: {  	[hbm4b:s29+s4] =	stream.linear.scatter [tilespmem:s22], [sflag:$0x8], $0x4000, $0x38;
	[tilespmem:$0x1E740] =	vst v63  }
0x66: {  	_ =	swait.ge [sflag:s23], $0x4000  }
0x67: {  	[sflag:s23] =	ssyncset.done $0x0  }
0x68: {  	s28 =	simm.s32 $0x18800;
	[sflag:s23] =	ssyncadd.s32 $0xFFFFC000  }
0x69: {  	[tilespmem:s28], [sflag:$0x7] =	stream.indirect.gather [hbm4b:s1+s15], $0x80, s25, s15, $0xb8;
	[tilespmem:$0x1E740] =	vst v63  }
0x6a: {  	s16 =	simm.s32 $0x3;
	s5 =	rddreg [dreg:$0xf]  }
0x6b: {  	[hbm4b:s5+s4] =	stream.linear.scatter [tilespmem:s24], [sflag:$0x9], $0x4000, $0x38;
	[tilespmem:$0x1E740] =	vst v63  }
0x6c: {  	_ =	swait.ge [sflag:s16], $0x4000  }
0x6d: {  	[sflag:s16] =	ssyncset.done $0x0  }
0x6e: {  	s25 =	simm.s32 $0x8;
	[sflag:s16] =	ssyncadd.s32 $0xFFFFC000  }
0x6f: {  	_ =	swait.ge [sflag:s25], $0x4000  }
0x70: {  	[sflag:s25] =	ssyncset.done $0x0  }
0x71: {  	[sflag:s25] =	ssyncadd.s32 $0xFFFFC000  }
0x72: {  	[tilespmem:s22], [sflag:$0x1] =	stream.indirect.gather [hbm4b:s1+s15], $0x80, s19, s15, $0xb8;
	[tilespmem:$0x1E740] =	vst v63  }
0x73: {  	s7 =	rddreg [dreg:$0x10];
	s19 =	simm.s32 $0x4  }
0x74: {  	[hbm4b:s7+s4] =	stream.linear.scatter [tilespmem:s26], [sflag:$0xA], $0x4000, $0x38;
	[tilespmem:$0x1E740] =	vst v63  }
0x75: {  	_ =	swait.ge [sflag:s19], $0x4000  }
0x76: {  	[sflag:s19] =	ssyncset.done $0x0  }
0x77: {  	[sflag:s19] =	ssyncadd.s32 $0xFFFFC000  }
0x78: {  	_ =	swait.ge [sflag:s14], $0x4000  }
0x79: {  	[sflag:s14] =	ssyncset.done $0x0  }
0x7a: {  	[sflag:s14] =	ssyncadd.s32 $0xFFFFC000  }
0x7b: {  	[tilespmem:s24], [sflag:$0x2] =	stream.indirect.gather [hbm4b:s1+s15], $0x80, s2, s15, $0xb8;
	[tilespmem:$0x1E740] =	vst v63  }
0x7c: {  	s29 =	rddreg [dreg:$0x11]  }
0x7d: {  	[hbm4b:s29+s4] =	stream.linear.scatter [tilespmem:s8], [sflag:$0xB], $0x4000, $0x38;
	[tilespmem:$0x1E740] =	vst v63  }
0x7e: {  	s29 =	simm.s32 $0x5  }
0x7f: {  	_ =	swait.ge [sflag:s29], $0x4000  }
0x80: {  	[sflag:s29] =	ssyncset.done $0x0  }
0x81: {  	[sflag:s29] =	ssyncadd.s32 $0xFFFFC000  }
0x82: {  	_ =	swait.ge [sflag:s17], $0x4000  }
0x83: {  	[sflag:s17] =	ssyncset.done $0x0  }
0x84: {  	[sflag:s17] =	ssyncadd.s32 $0xFFFFC000  }
0x85: {  	[tilespmem:s26], [sflag:$0x3] =	stream.indirect.gather [hbm4b:s1+s15], $0x80, s11, s15, $0xb8;
	[tilespmem:$0x1E740] =	vst v63  }
0x86: {  	s2 =	rddreg [dreg:$0x12];
	s11 =	simm.s32 $0x6  }
0x87: {  	[hbm4b:s2+s4] =	stream.linear.scatter [tilespmem:s9], [sflag:$0xC], $0x4000, $0x38;
	[tilespmem:$0x1E740] =	vst v63  }
0x88: {  	_ =	swait.ge [sflag:s11], $0x4000  }
0x89: {  	[sflag:s11] =	ssyncset.done $0x0  }
0x8a: {  	[sflag:s11] =	ssyncadd.s32 $0xFFFFC000  }
0x8b: {  	_ =	swait.ge [sflag:s18], $0x4000  }
0x8c: {  	[sflag:s18] =	ssyncset.done $0x0  }
0x8d: {  	[sflag:s18] =	ssyncadd.s32 $0xFFFFC000  }
0x8e: {  	[tilespmem:s8], [sflag:$0x4] =	stream.indirect.gather [hbm4b:s1+s15], $0x80, s12, s15, $0xb8;
	[tilespmem:$0x1E740] =	vst v63  }
0x8f: {  	s5 =	rddreg [dreg:$0x13]  }
0x90: {  	[hbm4b:s5+s4] =	stream.linear.scatter [tilespmem:s3], [sflag:$0xD], $0x4000, $0x38;
	[tilespmem:$0x1E740] =	vst v63  }
0x91: {  	_ =	swait.ge [sflag:s10], $0x4000  }
0x92: {  	[sflag:s10] =	ssyncset.done $0x0  }
0x93: {  	s30 =	simm.s32 $0xC;
	[sflag:s10] =	ssyncadd.s32 $0xFFFFC000  }
0x94: {  	_ =	swait.ge [sflag:s30], $0x4000  }
0x95: {  	[sflag:s30] =	ssyncset.done $0x0  }
0x96: {  	p4 =	por @p0 $0x0, $0x0;
	p3 =	por !p2, !p0;
	[sflag:s30] =	ssyncadd.s32 $0xFFFFC000  }
0x97: {  	[tilespmem:s9], [sflag:$0x5] =	stream.indirect.gather [hbm4b:s1+s15], $0x80, s21, s15, $0xb8;
	[tilespmem:$0x1E740] =	vst v63  }
0x98: {  	p2 =	por @!p1 $0x1, $0x1;
	s0 =	simm.s32 @!p0 $0xF;
	s7 =	rddreg [dreg:$0x14]  }
0x99: {  	[hbm4b:s7+s4] =	stream.linear.scatter [tilespmem:s28], [sflag:$0xE], $0x4000, $0x38;
	[tilespmem:$0x1E740] =	vst v63  }
0x9a: {  	p2 =	por @!p3 p4, p4;
	p3 =	por @!p0 $0x0, $0x0;
	_ =	swait.ge @!p0 [sflag:s0], $0x800  }
0x9b: {  	p2 =	por @!p0 p3, p3;
	[sflag:s0] =	ssyncset.done @!p0 $0x0  }
0x9c: {  	[sflag:s0] =	ssyncadd.s32 @!p0 $0xFFFFF800;
	s0 =	simm.s32 @p2 $0xF  }
0x9d: {  	_ =	swait.ge @p2 [sflag:s0], $0x680  }
0x9e: {  	[sflag:s0] =	ssyncset.done @p2 $0x0  }
0x9f: {  	[sflag:s0] =	ssyncadd.s32 @p2 $0xFFFFF980  }
0xa0: {  	[bflag:$0x0] =	sbarrier.arrive $0xFFFF  }
0xa1: {  	_ =	swait.ge [sflag:s20], $0x4000  }
0xa2: {  	[sflag:s20] =	ssyncset.done $0x0  }
0xa3: {  	s2 =	simm.s32 $0xD;
	[sflag:s20] =	ssyncadd.s32 $0xFFFFC000  }
0xa4: {  	_ =	swait.ge [sflag:s2], $0x4000  }
0xa5: {  	[sflag:s2] =	ssyncset.done $0x0  }
0xa6: {  	[sflag:s2] =	ssyncadd.s32 $0xFFFFC000  }
0xa7: {  	s0 =	rddreg [dreg:$0xa]  }
0xa8: {  	[tilespmem:s3], [sflag:$0x6] =	stream.indirect.gather [spmem:s0], $0x80, s15, s15, $0xb8;
	[tilespmem:$0x1E740] =	vst v63  }
0xa9: {  	s12 =	rddreg [dreg:$0x15]  }
0xaa: {  	[hbm4b:s12+s4] =	stream.linear.scatter [tilespmem:s22], [sflag:$0x8], $0x4000, $0x38;
	[tilespmem:$0x1E740] =	vst v63  }
0xab: {  	_ =	swait.ge [sflag:s23], $0x4000  }
0xac: {  	[sflag:s23] =	ssyncset.done $0x0  }
0xad: {  	s5 =	simm.s32 $0xE;
	[sflag:s23] =	ssyncadd.s32 $0xFFFFC000  }
0xae: {  	_ =	swait.ge [sflag:s5], $0x4000  }
0xaf: {  	[sflag:s5] =	ssyncset.done $0x0  }
0xb0: {  	[sflag:s5] =	ssyncadd.s32 $0xFFFFC000  }
0xb1: {  	[tilespmem:s28], [sflag:$0x7] =	stream.indirect.gather [spmem:s0], $0x80, s6, s15, $0xb8;
	[tilespmem:$0x1E740] =	vst v63  }
0xb2: {  	s21 =	rddreg [dreg:$0x16]  }
0xb3: {  	[hbm4b:s21+s4] =	stream.linear.scatter [tilespmem:s24], [sflag:$0x9], $0x4000, $0x38;
	[tilespmem:$0x1E740] =	vst v63  }
0xb4: {  	_ =	swait.ge [sflag:s16], $0x4000  }
0xb5: {  	[sflag:s16] =	ssyncset.done $0x0  }
0xb6: {  	[sflag:s16] =	ssyncadd.s32 $0xFFFFC000  }
0xb7: {  	_ =	swait.ge [sflag:s25], $0x4000  }
0xb8: {  	[sflag:s25] =	ssyncset.done $0x0  }
0xb9: {  	[sflag:s25] =	ssyncadd.s32 $0xFFFFC000  }
0xba: {  	[tilespmem:s22], [sflag:$0x1] =	stream.indirect.gather [spmem:s0], $0x80, s31, s15, $0xb8;
	[tilespmem:$0x1E740] =	vst v63  }
0xbb: {  	s6 =	rddreg [dreg:$0x17]  }
0xbc: {  	[hbm4b:s6+s4] =	stream.linear.scatter [tilespmem:s26], [sflag:$0xA], $0x4000, $0x38;
	[tilespmem:$0x1E740] =	vst v63  }
0xbd: {  	_ =	swait.ge [sflag:s19], $0x4000  }
0xbe: {  	[sflag:s19] =	ssyncset.done $0x0  }
0xbf: {  	[sflag:s19] =	ssyncadd.s32 $0xFFFFC000  }
0xc0: {  	_ =	swait.ge [sflag:s14], $0x4000  }
0xc1: {  	[sflag:s14] =	ssyncset.done $0x0  }
0xc2: {  	[sflag:s14] =	ssyncadd.s32 $0xFFFFC000  }
0xc3: {  	[tilespmem:s24], [sflag:$0x2] =	stream.indirect.gather [spmem:s0], $0x80, s13, s15, $0xb8;
	[tilespmem:$0x1E740] =	vst v63  }
0xc4: {  	s12 =	rddreg [dreg:$0x18]  }
0xc5: {  	[hbm4b:s12+s4] =	stream.linear.scatter [tilespmem:s8], [sflag:$0xB], $0x4000, $0x38;
	[tilespmem:$0x1E740] =	vst v63  }
0xc6: {  	_ =	swait.ge [sflag:s29], $0x4000  }
0xc7: {  	[sflag:s29] =	ssyncset.done $0x0  }
0xc8: {  	s16 =	rddreg [dreg:$0x19];
	[sflag:s29] =	ssyncadd.s32 $0xFFFFC000  }
0xc9: {  	[hbm4b:s16+s4] =	stream.linear.scatter [tilespmem:s9], [sflag:$0xC], $0x4000, $0x38;
	[tilespmem:$0x1E740] =	vst v63  }
0xca: {  	_ =	swait.ge [sflag:s11], $0x4000  }
0xcb: {  	[sflag:s11] =	ssyncset.done $0x0  }
0xcc: {  	s19 =	rddreg [dreg:$0x1a];
	[sflag:s11] =	ssyncadd.s32 $0xFFFFC000  }
0xcd: {  	[hbm4b:s19+s4] =	stream.linear.scatter [tilespmem:s3], [sflag:$0xD], $0x4000, $0x38;
	[tilespmem:$0x1E740] =	vst v63  }
0xce: {  	_ =	swait.ge [sflag:s10], $0x4000  }
0xcf: {  	[sflag:s10] =	ssyncset.done $0x0  }
0xd0: {  	s21 =	rddreg [dreg:$0x1b];
	[sflag:s10] =	ssyncadd.s32 $0xFFFFC000  }
0xd1: {  	[hbm4b:s21+s4] =	stream.linear.scatter [tilespmem:s28], [sflag:$0xE], $0x4000, $0x38;
	[tilespmem:$0x1E740] =	vst v63  }
0xd2: {  	_ =	swait.ge [sflag:s20], $0x4000  }
0xd3: {  	[sflag:s20] =	ssyncset.done $0x0  }
0xd4: {  	s26 =	rddreg [dreg:$0x1c];
	[sflag:s20] =	ssyncadd.s32 $0xFFFFC000  }
0xd5: {  	[hbm4b:s26+s4] =	stream.linear.scatter [tilespmem:s22], [sflag:$0x8], $0x4000, $0x38;
	[tilespmem:$0x1E740] =	vst v63  }
0xd6: {  	_ =	swait.ge [sflag:s23], $0x4000  }
0xd7: {  	[sflag:s23] =	ssyncset.done $0x0  }
0xd8: {  	s28 =	rddreg [dreg:$0x1d];
	[sflag:s23] =	ssyncadd.s32 $0xFFFFC000  }
0xd9: {  	[hbm4b:s28+s4] =	stream.linear.scatter [tilespmem:s24], [sflag:$0x9], $0x4000, $0x38;
	[tilespmem:$0x1E740] =	vst v63  }
0xda: {  	_ =	swait.ge [sflag:s17], $0x4000  }
0xdb: {  	[sflag:s17] =	ssyncset.done $0x0  }
0xdc: {  	[sflag:s17] =	ssyncadd.s32 $0xFFFFC000  }
0xdd: {  	_ =	swait.ge [sflag:s18], $0x4000  }
0xde: {  	[sflag:s18] =	ssyncset.done $0x0  }
0xdf: {  	[sflag:s18] =	ssyncadd.s32 $0xFFFFC000  }
0xe0: {  	_ =	swait.ge [sflag:s30], $0x4000  }
0xe1: {  	[sflag:s30] =	ssyncset.done $0x0  }
0xe2: {  	[sflag:s30] =	ssyncadd.s32 $0xFFFFC000  }
0xe3: {  	_ =	swait.ge [sflag:s2], $0x4000  }
0xe4: {  	s29 =	sld [smem:$0x7FD];
	_ =	sdelay $0x2  }
0xe5: {  	s0 =	ssub.s32 $0x2, s29  }
0xe6: {  	s31 =	sshrl.u32 s0, $0x1  }
0xe7: {  	[sflag:s2] =	ssyncset.done $0x0;
	s7 =	ssub.s32 s0, s31  }
0xe8: {  	[sflag:s2] =	ssyncadd.s32 $0xFFFFC000;
	s7 =	smax.u32 s7, $0x1  }
0xe9: {  	_ =	swait.ge [sflag:s5], $0x4000;
	s7 =	sadd.s32 $0xFFFFFFFF, s7  }
0xea: {  	[sflag:s5] =	ssyncset.done $0x0;
	p3 =	sne.s32 s7, $0x0  }
.Ltmp0:
0xeb: {  	[sflag:s5] =	ssyncadd.s32 $0xFFFFC000;
	(pc) =	sbr.rel @!p3 .LBB2_3-.Ltmp0, $4  }
0xec: {  	_ =	swait.ge [sflag:s25], $0x4000  }
0xed: {  	[sflag:s25] =	ssyncset.done $0x0  }
0xee: {  	[sflag:s25] =	ssyncadd.s32 $0xFFFFC000  }
0xef: {  	_ =	swait.ge [sflag:s14], $0x4000  }
0xf0: {  	s31 =	simm.s32 $0x480  }
0xf1: {  	s26 =	simm.s32 $0x4800;
	s28 =	simm.s32 $0x8800;
	s29 =	simm.s32 $0x18800  }
.LBB2_2:
0xf2: {  	s6 =	rddreg [dreg:$0x1e];
	[sflag:s14] =	ssyncset.done $0x0  }
0xf3: {  	s8 =	rddreg [dreg:$0xc];
	s9 =	simm.s32 @!p1 $0x1DCF;
	[sflag:s14] =	ssyncadd.s32 $0xFFFFC000  }
0xf4: {  	[spmem:s6], [sflag:s9] =	dma.local @!p1 [hbm:s8], $0x680  }
0xf5: {  	s9 =	sld [smem:$0x7EC]  }
0xf6: {  	s6 =	rddreg [dreg:$0xd]  }
0xf7: {  	s8 =	rddreg [dreg:$0x1f]  }
0xf8: {  	[spmem:s8], [sflag:s9] =	dma.local @!p0 [hbm:s6], $0x800  }
0xf9: {  	s6 =	sld [smem:$0x7EF];
	_ =	sdelay $0x1  }
0xfa: {  	s8 =	sld [smem:$0x7ED]  }
0xfb: {  	[tilespmem:s4], [sflag:$0x7] =	stream.linear.gather [hbm4b:s6+s4], $0x80, $0x38;
	[tilespmem:$0x1E740] =	vst v63  }
0xfc: {  	s9 =	sld [smem:$0x7EE];
	s6 =	simm.s32 $0x200  }
0xfd: {  	[tilespmem:s6], [sflag:$0x7] =	stream.linear.gather [hbm4b:s8+s4], $0x80, $0x38;
	[tilespmem:$0x1E740] =	vst v63  }
0xfe: {  	s3 =	sld [smem:$0x7F0];
	s8 =	simm.s32 $0x400  }
0xff: {  	[tilespmem:s8], [sflag:$0x7] =	stream.linear.gather [hbm4b:s9+s4], $0x80, $0x38;
	[tilespmem:$0x1E740] =	vst v63  }
0x100: {  	s13 =	sld [smem:$0x7F3];
	s9 =	simm.s32 $0x600  }
0x101: {  	[tilespmem:s9], [sflag:$0x7] =	stream.linear.gather [hbm4b:s3+s4], $0x80, $0x38;
	[tilespmem:$0x1E740] =	vst v63  }
0x102: {  	s16 =	sld [smem:$0x7F1]  }
0x103: {  	[tilespmem:s15], [sflag:$0x9] =	stream.linear.gather [hbm4b:s13+s4], $0x80, $0x38;
	[tilespmem:$0x1E740] =	vst v63  }
0x104: {  	s0 =	simm.s32 $0x280;
	s19 =	sld [smem:$0x7F2]  }
0x105: {  	[tilespmem:s0], [sflag:$0x9] =	stream.linear.gather [hbm4b:s16+s4], $0x80, $0x38;
	[tilespmem:$0x1E740] =	vst v63  }
0x106: {  	s21 =	sld [smem:$0x7F4]  }
0x107: {  	[tilespmem:s31], [sflag:$0x9] =	stream.linear.gather [hbm4b:s19+s4], $0x80, $0x38;
	[tilespmem:$0x1E740] =	vst v63  }
0x108: {  	s11 =	simm.s32 $0x680;
	s22 =	sld [smem:$0x7F7]  }
0x109: {  	[tilespmem:s11], [sflag:$0x9] =	stream.linear.gather [hbm4b:s21+s4], $0x80, $0x38;
	[tilespmem:$0x1E740] =	vst v63  }
0x10a: {  	s16 =	simm.s32 $0x100;
	s19 =	sld [smem:$0x7F5]  }
0x10b: {  	[tilespmem:s16], [sflag:$0xA] =	stream.linear.gather [hbm4b:s22+s4], $0x80, $0x38;
	[tilespmem:$0x1E740] =	vst v63  }
0x10c: {  	s3 =	simm.s32 $0x300;
	s21 =	sld [smem:$0x7F6]  }
0x10d: {  	[tilespmem:s3], [sflag:$0xA] =	stream.linear.gather [hbm4b:s19+s4], $0x80, $0x38;
	[tilespmem:$0x1E740] =	vst v63  }
0x10e: {  	s22 =	sld [smem:$0x7F8];
	s19 =	simm.s32 $0x500  }
0x10f: {  	[tilespmem:s19], [sflag:$0xA] =	stream.linear.gather [hbm4b:s21+s4], $0x80, $0x38;
	[tilespmem:$0x1E740] =	vst v63  }
0x110: {  	s24 =	sld [smem:$0x7FB];
	s21 =	simm.s32 $0x700  }
0x111: {  	[tilespmem:s21], [sflag:$0xA] =	stream.linear.gather [hbm4b:s22+s4], $0x80, $0x38;
	[tilespmem:$0x1E740] =	vst v63  }
0x112: {  	s12 =	sld [smem:$0x7F9];
	s11 =	simm.s32 $0x180  }
0x113: {  	[tilespmem:s11], [sflag:$0xB] =	stream.linear.gather [hbm4b:s24+s4], $0x80, $0x38;
	[tilespmem:$0x1E740] =	vst v63  }
0x114: {  	s22 =	simm.s32 $0x380;
	s24 =	sld [smem:$0x7FA]  }
0x115: {  	[tilespmem:s22], [sflag:$0xB] =	stream.linear.gather [hbm4b:s12+s4], $0x80, $0x38;
	[tilespmem:$0x1E740] =	vst v63  }
0x116: {  	s13 =	sld [smem:$0x7FC];
	s12 =	simm.s32 $0x580  }
0x117: {  	[tilespmem:s12], [sflag:$0xB] =	stream.linear.gather [hbm4b:s24+s4], $0x80, $0x38;
	[tilespmem:$0x1E740] =	vst v63  }
0x118: {  	s24 =	simm.s32 $0x780  }
0x119: {  	[tilespmem:s24], [sflag:$0xB] =	stream.linear.gather [hbm4b:s13+s4], $0x80, $0x38;
	[tilespmem:$0x1E740] =	vst v63  }
0x11a: {  	_ =	swait.ge [sflag:s10], $0x200  }
0x11b: {  	[sflag:s10] =	ssyncset.done $0x0  }
0x11c: {  	s13 =	simm.s32 $0x800;
	[sflag:s10] =	ssyncadd.s32 $0xFFFFFE00  }
0x11d: {  	[tilespmem:s13], [sflag:$0x1] =	stream.indirect.gather [hbm4b:s1+s15], $0x80, s4, s15, $0xb8;
	[tilespmem:$0x1E740] =	vst v63  }
0x11e: {  	_ = 	snop  }
0x11f: {  	[tilespmem:s26], [sflag:$0x2] =	stream.indirect.gather [hbm4b:s1+s15], $0x80, s6, s15, $0xb8;
	[tilespmem:$0x1E740] =	vst v63  }
0x120: {  	_ = 	snop  }
0x121: {  	[tilespmem:s28], [sflag:$0x3] =	stream.indirect.gather [hbm4b:s1+s15], $0x80, s8, s15, $0xb8;
	[tilespmem:$0x1E740] =	vst v63  }
0x122: {  	s8 =	simm.s32 $0xC800  }
0x123: {  	[tilespmem:s8], [sflag:$0x4] =	stream.indirect.gather [hbm4b:s1+s15], $0x80, s9, s15, $0xb8;
	[tilespmem:$0x1E740] =	vst v63  }
0x124: {  	_ =	swait.ge [sflag:s14], $0x200  }
0x125: {  	[sflag:s14] =	ssyncset.done $0x0  }
0x126: {  	[sflag:s14] =	ssyncadd.s32 $0xFFFFFE00  }
0x127: {  	_ =	swait.ge [sflag:s17], $0x200  }
0x128: {  	[sflag:s17] =	ssyncset.done $0x0  }
0x129: {  	[sflag:s17] =	ssyncadd.s32 $0xFFFFFE00  }
0x12a: {  	_ =	swait.ge [sflag:s18], $0x200  }
0x12b: {  	[sflag:s18] =	ssyncset.done $0x0  }
0x12c: {  	s9 =	simm.s32 $0x10800;
	[sflag:s18] =	ssyncadd.s32 $0xFFFFFE00  }
0x12d: {  	[tilespmem:s9], [sflag:$0x5] =	stream.indirect.gather [hbm4b:s1+s15], $0x80, s16, s15, $0xb8;
	[tilespmem:$0x1E740] =	vst v63  }
0x12e: {  	_ =	swait.ge [sflag:s20], $0x4000  }
0x12f: {  	[sflag:s20] =	ssyncset.done $0x0  }
0x130: {  	s16 =	simm.s32 $0x14800;
	[sflag:s20] =	ssyncadd.s32 $0xFFFFC000  }
0x131: {  	[tilespmem:s16], [sflag:$0x6] =	stream.indirect.gather [hbm4b:s1+s15], $0x80, s3, s15, $0xb8;
	[tilespmem:$0x1E740] =	vst v63  }
0x132: {  	s6 =	rddreg [dreg:$0xe]  }
0x133: {  	[hbm4b:s6+s4] =	stream.linear.scatter [tilespmem:s13], [sflag:$0x8], $0x4000, $0x38;
	[tilespmem:$0x1E740] =	vst v63  }
0x134: {  	_ =	swait.ge [sflag:s23], $0x4000  }
0x135: {  	[sflag:s23] =	ssyncset.done $0x0  }
0x136: {  	[sflag:s23] =	ssyncadd.s32 $0xFFFFC000  }
0x137: {  	[tilespmem:s29], [sflag:$0x7] =	stream.indirect.gather [hbm4b:s1+s15], $0x80, s19, s15, $0xb8;
	[tilespmem:$0x1E740] =	vst v63  }
0x138: {  	s3 =	rddreg [dreg:$0xf];
	s19 =	simm.s32 $0x3  }
0x139: {  	[hbm4b:s3+s4] =	stream.linear.scatter [tilespmem:s26], [sflag:$0x9], $0x4000, $0x38;
	[tilespmem:$0x1E740] =	vst v63  }
0x13a: {  	_ =	swait.ge [sflag:s19], $0x4000  }
0x13b: {  	[sflag:s19] =	ssyncset.done $0x0  }
0x13c: {  	[sflag:s19] =	ssyncadd.s32 $0xFFFFC000  }
0x13d: {  	_ =	swait.ge [sflag:s25], $0x4000  }
0x13e: {  	[sflag:s25] =	ssyncset.done $0x0  }
0x13f: {  	[sflag:s25] =	ssyncadd.s32 $0xFFFFC000  }
0x140: {  	[tilespmem:s13], [sflag:$0x1] =	stream.indirect.gather [hbm4b:s1+s15], $0x80, s21, s15, $0xb8;
	[tilespmem:$0x1E740] =	vst v63  }
0x141: {  	s3 =	rddreg [dreg:$0x10];
	s21 =	simm.s32 $0x4  }
0x142: {  	[hbm4b:s3+s4] =	stream.linear.scatter [tilespmem:s28], [sflag:$0xA], $0x4000, $0x38;
	[tilespmem:$0x1E740] =	vst v63  }
0x143: {  	_ =	swait.ge [sflag:s21], $0x4000  }
0x144: {  	[sflag:s21] =	ssyncset.done $0x0  }
0x145: {  	[sflag:s21] =	ssyncadd.s32 $0xFFFFC000  }
0x146: {  	_ =	swait.ge [sflag:s14], $0x4000  }
0x147: {  	[sflag:s14] =	ssyncset.done $0x0  }
0x148: {  	[sflag:s14] =	ssyncadd.s32 $0xFFFFC000  }
0x149: {  	[tilespmem:s26], [sflag:$0x2] =	stream.indirect.gather [hbm4b:s1+s15], $0x80, s11, s15, $0xb8;
	[tilespmem:$0x1E740] =	vst v63  }
0x14a: {  	s3 =	rddreg [dreg:$0x11];
	s11 =	simm.s32 $0x5  }
0x14b: {  	[hbm4b:s3+s4] =	stream.linear.scatter [tilespmem:s8], [sflag:$0xB], $0x4000, $0x38;
	[tilespmem:$0x1E740] =	vst v63  }
0x14c: {  	_ =	swait.ge [sflag:s11], $0x4000  }
0x14d: {  	[sflag:s11] =	ssyncset.done $0x0  }
0x14e: {  	[sflag:s11] =	ssyncadd.s32 $0xFFFFC000  }
0x14f: {  	_ =	swait.ge [sflag:s17], $0x4000  }
0x150: {  	[sflag:s17] =	ssyncset.done $0x0  }
0x151: {  	[sflag:s17] =	ssyncadd.s32 $0xFFFFC000  }
0x152: {  	[tilespmem:s28], [sflag:$0x3] =	stream.indirect.gather [hbm4b:s1+s15], $0x80, s22, s15, $0xb8;
	[tilespmem:$0x1E740] =	vst v63  }
0x153: {  	s3 =	rddreg [dreg:$0x12];
	s22 =	simm.s32 $0x6  }
0x154: {  	[hbm4b:s3+s4] =	stream.linear.scatter [tilespmem:s9], [sflag:$0xC], $0x4000, $0x38;
	[tilespmem:$0x1E740] =	vst v63  }
0x155: {  	_ =	swait.ge [sflag:s22], $0x4000  }
0x156: {  	[sflag:s22] =	ssyncset.done $0x0  }
0x157: {  	[sflag:s22] =	ssyncadd.s32 $0xFFFFC000  }
0x158: {  	_ =	swait.ge [sflag:s18], $0x4000  }
0x159: {  	[sflag:s18] =	ssyncset.done $0x0  }
0x15a: {  	[sflag:s18] =	ssyncadd.s32 $0xFFFFC000  }
0x15b: {  	[tilespmem:s8], [sflag:$0x4] =	stream.indirect.gather [hbm4b:s1+s15], $0x80, s12, s15, $0xb8;
	[tilespmem:$0x1E740] =	vst v63  }
0x15c: {  	s3 =	rddreg [dreg:$0x13]  }
0x15d: {  	[hbm4b:s3+s4] =	stream.linear.scatter [tilespmem:s16], [sflag:$0xD], $0x4000, $0x38;
	[tilespmem:$0x1E740] =	vst v63  }
0x15e: {  	_ =	swait.ge [sflag:s10], $0x4000  }
0x15f: {  	[sflag:s10] =	ssyncset.done $0x0  }
0x160: {  	[sflag:s10] =	ssyncadd.s32 $0xFFFFC000  }
0x161: {  	_ =	swait.ge [sflag:s30], $0x4000  }
0x162: {  	[sflag:s30] =	ssyncset.done $0x0  }
0x163: {  	[sflag:s30] =	ssyncadd.s32 $0xFFFFC000  }
0x164: {  	[tilespmem:s9], [sflag:$0x5] =	stream.indirect.gather [hbm4b:s1+s15], $0x80, s24, s15, $0xb8;
	[tilespmem:$0x1E740] =	vst v63  }
0x165: {  	s3 =	simm.s32 @!p0 $0xF;
	s12 =	rddreg [dreg:$0x14]  }
0x166: {  	[hbm4b:s12+s4] =	stream.linear.scatter [tilespmem:s29], [sflag:$0xE], $0x4000, $0x38;
	[tilespmem:$0x1E740] =	vst v63  }
0x167: {  	_ =	swait.ge @!p0 [sflag:s3], $0x800  }
0x168: {  	[sflag:s3] =	ssyncset.done @!p0 $0x0  }
0x169: {  	[sflag:s3] =	ssyncadd.s32 @!p0 $0xFFFFF800;
	s3 =	simm.s32 @p2 $0xF  }
0x16a: {  	_ =	swait.ge @p2 [sflag:s3], $0x680  }
0x16b: {  	[sflag:s3] =	ssyncset.done @p2 $0x0  }
0x16c: {  	[sflag:s3] =	ssyncadd.s32 @p2 $0xFFFFF980  }
0x16d: {  	[bflag:$0x0] =	sbarrier.arrive $0xFFFF  }
0x16e: {  	_ =	swait.ge [sflag:s20], $0x4000  }
0x16f: {  	[sflag:s20] =	ssyncset.done $0x0  }
0x170: {  	[sflag:s20] =	ssyncadd.s32 $0xFFFFC000  }
0x171: {  	_ =	swait.ge [sflag:s2], $0x4000  }
0x172: {  	[sflag:s2] =	ssyncset.done $0x0  }
0x173: {  	[sflag:s2] =	ssyncadd.s32 $0xFFFFC000  }
0x174: {  	s3 =	rddreg [dreg:$0xa]  }
0x175: {  	[tilespmem:s16], [sflag:$0x6] =	stream.indirect.gather [spmem:s3], $0x80, s15, s15, $0xb8;
	[tilespmem:$0x1E740] =	vst v63  }
0x176: {  	s24 =	rddreg [dreg:$0x15]  }
0x177: {  	[hbm4b:s24+s4] =	stream.linear.scatter [tilespmem:s13], [sflag:$0x8], $0x4000, $0x38;
	[tilespmem:$0x1E740] =	vst v63  }
0x178: {  	_ =	swait.ge [sflag:s23], $0x4000  }
0x179: {  	[sflag:s23] =	ssyncset.done $0x0  }
0x17a: {  	[sflag:s23] =	ssyncadd.s32 $0xFFFFC000  }
0x17b: {  	_ =	swait.ge [sflag:s5], $0x4000  }
0x17c: {  	[sflag:s5] =	ssyncset.done $0x0  }
0x17d: {  	[sflag:s5] =	ssyncadd.s32 $0xFFFFC000  }
0x17e: {  	[tilespmem:s29], [sflag:$0x7] =	stream.indirect.gather [spmem:s3], $0x80, s0, s15, $0xb8;
	[tilespmem:$0x1E740] =	vst v63  }
0x17f: {  	s12 =	rddreg [dreg:$0x16]  }
0x180: {  	[hbm4b:s12+s4] =	stream.linear.scatter [tilespmem:s26], [sflag:$0x9], $0x4000, $0x38;
	[tilespmem:$0x1E740] =	vst v63  }
0x181: {  	_ =	swait.ge [sflag:s19], $0x4000  }
0x182: {  	[sflag:s19] =	ssyncset.done $0x0  }
0x183: {  	[sflag:s19] =	ssyncadd.s32 $0xFFFFC000  }
0x184: {  	_ =	swait.ge [sflag:s25], $0x4000  }
0x185: {  	[sflag:s25] =	ssyncset.done $0x0  }
0x186: {  	[sflag:s25] =	ssyncadd.s32 $0xFFFFC000  }
0x187: {  	[tilespmem:s13], [sflag:$0x1] =	stream.indirect.gather [spmem:s3], $0x80, s31, s15, $0xb8;
	[tilespmem:$0x1E740] =	vst v63  }
0x188: {  	s19 =	rddreg [dreg:$0x17]  }
0x189: {  	[hbm4b:s19+s4] =	stream.linear.scatter [tilespmem:s28], [sflag:$0xA], $0x4000, $0x38;
	[tilespmem:$0x1E740] =	vst v63  }
0x18a: {  	_ =	swait.ge [sflag:s21], $0x4000  }
0x18b: {  	[sflag:s21] =	ssyncset.done $0x0  }
0x18c: {  	[sflag:s21] =	ssyncadd.s32 $0xFFFFC000  }
0x18d: {  	_ =	swait.ge [sflag:s14], $0x4000  }
0x18e: {  	[sflag:s14] =	ssyncset.done $0x0  }
0x18f: {  	s24 =	simm.s32 $0x680;
	[sflag:s14] =	ssyncadd.s32 $0xFFFFC000  }
0x190: {  	[tilespmem:s26], [sflag:$0x2] =	stream.indirect.gather [spmem:s3], $0x80, s24, s15, $0xb8;
	[tilespmem:$0x1E740] =	vst v63  }
0x191: {  	s21 =	rddreg [dreg:$0x18]  }
0x192: {  	[hbm4b:s21+s4] =	stream.linear.scatter [tilespmem:s8], [sflag:$0xB], $0x4000, $0x38;
	[tilespmem:$0x1E740] =	vst v63  }
0x193: {  	_ =	swait.ge [sflag:s11], $0x4000  }
0x194: {  	[sflag:s11] =	ssyncset.done $0x0  }
0x195: {  	s12 =	rddreg [dreg:$0x19];
	[sflag:s11] =	ssyncadd.s32 $0xFFFFC000  }
0x196: {  	[hbm4b:s12+s4] =	stream.linear.scatter [tilespmem:s9], [sflag:$0xC], $0x4000, $0x38;
	[tilespmem:$0x1E740] =	vst v63  }
0x197: {  	_ =	swait.ge [sflag:s22], $0x4000  }
0x198: {  	[sflag:s22] =	ssyncset.done $0x0  }
0x199: {  	s19 =	rddreg [dreg:$0x1a];
	[sflag:s22] =	ssyncadd.s32 $0xFFFFC000  }
0x19a: {  	[hbm4b:s19+s4] =	stream.linear.scatter [tilespmem:s16], [sflag:$0xD], $0x4000, $0x38;
	[tilespmem:$0x1E740] =	vst v63  }
0x19b: {  	_ =	swait.ge [sflag:s10], $0x4000  }
0x19c: {  	[sflag:s10] =	ssyncset.done $0x0  }
0x19d: {  	s21 =	rddreg [dreg:$0x1b];
	[sflag:s10] =	ssyncadd.s32 $0xFFFFC000  }
0x19e: {  	[hbm4b:s21+s4] =	stream.linear.scatter [tilespmem:s29], [sflag:$0xE], $0x4000, $0x38;
	[tilespmem:$0x1E740] =	vst v63  }
0x19f: {  	_ =	swait.ge [sflag:s20], $0x4000  }
0x1a0: {  	[sflag:s20] =	ssyncset.done $0x0  }
0x1a1: {  	s22 =	rddreg [dreg:$0x1c];
	[sflag:s20] =	ssyncadd.s32 $0xFFFFC000  }
0x1a2: {  	[hbm4b:s22+s4] =	stream.linear.scatter [tilespmem:s13], [sflag:$0x8], $0x4000, $0x38;
	[tilespmem:$0x1E740] =	vst v63  }
0x1a3: {  	_ =	swait.ge [sflag:s23], $0x4000  }
0x1a4: {  	[sflag:s23] =	ssyncset.done $0x0  }
0x1a5: {  	s24 =	rddreg [dreg:$0x1d];
	[sflag:s23] =	ssyncadd.s32 $0xFFFFC000  }
0x1a6: {  	[hbm4b:s24+s4] =	stream.linear.scatter [tilespmem:s26], [sflag:$0x9], $0x4000, $0x38;
	[tilespmem:$0x1E740] =	vst v63  }
0x1a7: {  	_ =	swait.ge [sflag:s17], $0x4000  }
0x1a8: {  	[sflag:s17] =	ssyncset.done $0x0  }
0x1a9: {  	[sflag:s17] =	ssyncadd.s32 $0xFFFFC000  }
0x1aa: {  	_ =	swait.ge [sflag:s18], $0x4000  }
0x1ab: {  	[sflag:s18] =	ssyncset.done $0x0  }
0x1ac: {  	[sflag:s18] =	ssyncadd.s32 $0xFFFFC000  }
0x1ad: {  	_ =	swait.ge [sflag:s30], $0x4000  }
0x1ae: {  	[sflag:s30] =	ssyncset.done $0x0  }
0x1af: {  	[sflag:s30] =	ssyncadd.s32 $0xFFFFC000  }
0x1b0: {  	_ =	swait.ge [sflag:s2], $0x4000  }
0x1b1: {  	[sflag:s2] =	ssyncset.done $0x0  }
0x1b2: {  	[sflag:s2] =	ssyncadd.s32 $0xFFFFC000  }
0x1b3: {  	s7 =	sadd.s32 $0xFFFFFFFF, s7;
	_ =	swait.ge [sflag:s5], $0x4000  }
0x1b4: {  	p3 =	sne.s32 s7, $0x0;
	[sflag:s5] =	ssyncset.done $0x0  }
.Ltmp1:
0x1b5: {  	[sflag:s5] =	ssyncadd.s32 $0xFFFFC000;
	(pc) =	sbr.rel @p3 .LBB2_2-.Ltmp1, $4  }
0x1b6: {  	_ =	swait.ge [sflag:s25], $0x4000  }
0x1b7: {  	[sflag:s25] =	ssyncset.done $0x0  }
0x1b8: {  	[sflag:s25] =	ssyncadd.s32 $0xFFFFC000  }
0x1b9: {  	_ =	swait.ge [sflag:s14], $0x4000  }
.LBB2_3:
0x1ba: {  	[sflag:s14] =	ssyncset.done $0x0  }
0x1bb: {  	[sflag:s14] =	ssyncadd.s32 $0xFFFFC000  }
0x1bc: {  	_ =	sfence.sel $0x180000  }
0x1bd: {  	[bflag:$0x0] =	sbarrier.arrive $0xFFFF  }
0x1be: {  	_ =	strace $0x90000047  }
0x1bf: {  	s0 =	stileid.u32;
	[bflag:$0x2] =	sbarrier.arrive $0xFFFF  }
0x1c0: {  	p0 =	sne.s32 s0, $0x0;
	s0 =	rddreg [dreg:$0xb]  }
0x1c1: {  	s0 =	sadd.s32 @!p0 $0x100000, s0  }
0x1c2: {  	[sflag:s0] =	ssyncadd.tile.s32 @!p0 $0x1;
	_ =	shalt  }
.Lfunc_end2:
_tile_overlayer_lowered:
.L_overlay_start_2:
0x1c3: {  	(tag) =	ssettag $0x2  }
0x1c4: {  	s0 =	rddreg [dreg:$0x0];
	s2 =	stileid.u32  }
0x1c5: {  	s1 =	rddreg [dreg:$0x1];
	p0 =	sne.s32 s2, $0x0  }
0x1c6: {  	s3 =	rddreg [dreg:$0x2];
	[bflag:$0x3] =	sbarrier.arrive $0xFFFF;
	s2 =	simm.s32 @!p0 $0x1C10  }
0x1c7: {  	[timem:s3], [sflag:s2] =	dma.local @!p0 [hbm:s0], s1  }
0x1c8: {  	s0 =	simm.s32 @!p0 $0x10  }
0x1c9: {  	_ =	swait.ge @!p0 [sflag:s0], s1  }
0x1ca: {  	s1 =	ssub.s32 @!p0 $0x0, s1;
	[sflag:s0] =	ssyncset.done @!p0 $0x0  }
0x1cb: {  	[sflag:s0] =	ssyncadd.s32 @!p0 s1  }
0x1cc: {  	[bflag:$0x3] =	sbarrier.arrive $0xFFFF  }
0x1cd: {  	_ =	shalt  }

</sc_bundles>
